<compile_context>
chip_gen: v7x
topology: tpu7x:2x2x1
jax: 0.10.2.dev20260603
libtpu: 0.0.44.dev20260713+nightly
codegen_flags: <defaults>
</compile_context>

<pallas_src>
import functools

import jax
import jax.numpy as jnp
from jax.experimental import pallas as pl
from jax.experimental.pallas import tpu as pltpu
from jax.experimental.pallas import tpu_sc as plsc

_N = 8192
_E = 16
_K = 2
_BLW = 0.01
_BLK = 1024


def _dot_t(a, b):
    return jax.lax.dot_general(
        a, b, (((1,), (1,)), ((), ())),
        precision=jax.lax.Precision.DEFAULT,
        preferred_element_type=jnp.float32)


def _router_kernel(x_ref, w1_ref, b1_ref, w2_ref, b2_ref,
                   keys_ref, idx_ref, scr_ref, load_ref, bal_ref,
                   spe_acc):
    i = pl.program_id(0)
    nblocks = pl.num_programs(0)
    blk = x_ref.shape[0]
    e = keys_ref.shape[0]

    h1 = jnp.maximum(_dot_t(x_ref[...], w1_ref[...]) + b1_ref[...], 0.0)
    h = _dot_t(h1, w2_ref[...]) + b2_ref[...]
    logits = _dot_t(h, keys_ref[...])

    m = jnp.max(logits, axis=-1, keepdims=True)
    ex = jnp.exp(logits - m)
    denom = jnp.sum(ex, axis=-1, keepdims=True)
    p = ex / denom

    cols = jax.lax.broadcasted_iota(jnp.int32, (blk, e), 1)
    i1 = jnp.min(jnp.where(logits == m, cols, e), axis=-1, keepdims=True)
    masked = jnp.where(cols == i1, -jnp.inf, logits)
    m2 = jnp.max(masked, axis=-1, keepdims=True)
    i2 = jnp.min(jnp.where(masked == m2, cols, e), axis=-1, keepdims=True)

    oh1 = (cols == i1).astype(jnp.float32)
    oh2 = (cols == i2).astype(jnp.float32)
    p1 = jnp.sum(p * oh1, axis=-1, keepdims=True)
    p2 = jnp.sum(p * oh2, axis=-1, keepdims=True)
    tot = p1 + p2

    idx_ref[...] = jnp.concatenate([i1, i2], axis=1)
    scr_ref[...] = jnp.concatenate([p1 / tot, p2 / tot], axis=1)

    tpe_blk = jnp.sum(oh1 + oh2, axis=0, keepdims=True)
    spe_blk = jnp.sum(p, axis=0, keepdims=True)

    @pl.when(i == 0)
    def _init():
        load_ref[...] = tpe_blk
        spe_acc[...] = spe_blk

    @pl.when(i != 0)
    def _acc():
        load_ref[...] += tpe_blk
        spe_acc[...] += spe_blk

    @pl.when(i == nblocks - 1)
    def _fin():
        n = jnp.float32(_N)
        tpe = load_ref[...] / n
        spe = spe_acc[...] / n
        bal_ref[...] = jnp.sum(tpe * spe).reshape(1, 1) * (_BLW * _E)


def _router_tc(x, W1, b1r, W2, b2r, keys):
    n, d_in = x.shape
    d_hid = W1.shape[0]
    d_out = W2.shape[0]
    e = keys.shape[0]
    blk = _BLK
    grid = n // blk

    out_shapes = (
        jax.ShapeDtypeStruct((n, _K), jnp.int32),
        jax.ShapeDtypeStruct((n, _K), jnp.float32),
        jax.ShapeDtypeStruct((1, e), jnp.float32),
        jax.ShapeDtypeStruct((1, 1), jnp.float32),
    )
    in_specs = [
        pl.BlockSpec((blk, d_in), lambda i: (i, 0)),
        pl.BlockSpec((d_hid, d_in), lambda i: (0, 0)),
        pl.BlockSpec((1, d_hid), lambda i: (0, 0)),
        pl.BlockSpec((d_out, d_hid), lambda i: (0, 0)),
        pl.BlockSpec((1, d_out), lambda i: (0, 0)),
        pl.BlockSpec((e, d_out), lambda i: (0, 0)),
    ]
    out_specs = (
        pl.BlockSpec((blk, _K), lambda i: (i, 0)),
        pl.BlockSpec((blk, _K), lambda i: (i, 0)),
        pl.BlockSpec((1, e), lambda i: (0, 0)),
        pl.BlockSpec((1, 1), lambda i: (0, 0)),
    )
    return pl.pallas_call(
        _router_kernel,
        grid=(grid,),
        in_specs=in_specs,
        out_specs=out_specs,
        out_shape=out_shapes,
        scratch_shapes=[pltpu.VMEM((1, e), jnp.float32)],
    )(x, W1, b1r, W2, b2r, keys)


_SC_CHUNK = 32


def _sc_gather(keys, idx_flat):
    n_rows = idx_flat.shape[0]
    d = keys.shape[1]
    info = plsc.get_sparse_core_info()
    nc, ns = info.num_cores, info.num_subcores
    nw = nc * ns
    b_per_w = n_rows // nw
    chunk = _SC_CHUNK
    nchunks = b_per_w // chunk
    mesh = plsc.VectorSubcoreMesh(core_axis_name="c", subcore_axis_name="s")

    @functools.partial(
        pl.kernel, mesh=mesh,
        out_type=jax.ShapeDtypeStruct((n_rows, d), jnp.float32),
        scratch_types=[
            pltpu.VMEM((b_per_w,), jnp.int32),
            pltpu.VMEM((chunk, d), jnp.float32),
            pltpu.VMEM((chunk, d), jnp.float32),
            pltpu.SemaphoreType.DMA,
            pltpu.SemaphoreType.DMA,
            pltpu.SemaphoreType.DMA,
            pltpu.SemaphoreType.DMA,
        ],
    )
    def gather_kernel(keys_hbm, idx_hbm, out_hbm, idx_v, buf0, buf1,
                      gsem0, gsem1, ssem0, ssem1):
        wid = jax.lax.axis_index("s") * nc + jax.lax.axis_index("c")
        base = wid * b_per_w
        pltpu.sync_copy(idx_hbm.at[pl.ds(base, b_per_w)], idx_v)
        bufs = (buf0, buf1)
        gsems = (gsem0, gsem1)
        ssems = (ssem0, ssem1)

        gathers = [None, None]
        scatters = [None, None]
        for c in range(nchunks):
            s = c % 2
            if scatters[s] is not None:
                scatters[s].wait()
                scatters[s] = None
            gathers[s] = pltpu.async_copy(
                keys_hbm.at[idx_v.at[pl.ds(c * chunk, chunk)]],
                bufs[s], gsems[s])
            if c > 0:
                sp = (c - 1) % 2
                gathers[sp].wait()
                scatters[sp] = pltpu.async_copy(
                    bufs[sp],
                    out_hbm.at[pl.ds(base + (c - 1) * chunk, chunk)],
                    ssems[sp])
        last = nchunks - 1
        s = last % 2
        gathers[s].wait()
        scatters[s] = pltpu.async_copy(
            bufs[s], out_hbm.at[pl.ds(base + last * chunk, chunk)], ssems[s])
        for sc in scatters:
            if sc is not None:
                sc.wait()

    return gather_kernel(keys, idx_flat)


@functools.partial(jax.jit, static_argnames=("interpret",))
def kernel(x, W1, b1, W2, b2, keys, interpret=False):
    n = x.shape[0]
    d_out = W2.shape[0]
    e = keys.shape[0]

    b1r = b1[None, :]
    b2r = b2[None, :]

    idx, scr, load2d, bal = _router_tc(x, W1, b1r, W2, b2r, keys)

    idx_flat = idx.reshape(n * _K)
    sel_flat = _sc_gather(keys, idx_flat)
    selected_keys = sel_flat.reshape(n, _K, d_out)

    top_k_indices = idx
    top_k_scores = scr
    load = load2d.reshape(e)
    balance_loss = bal.reshape(())
    importance = jnp.float32(0.0)
    return (top_k_indices, top_k_scores, balance_loss, load, importance,
            selected_keys)

# --- scband reference (transcript-rebuilt; emitter-appended) ---
"""Pipeline reference for scband-smo-reswitch-gate-20057497272796 (READ-ONLY COPY).

The authoritative reference and input builder live on the scoring server;
editing this copy changes nothing except your own understanding.
"""

import jax, jax.numpy as jnp
import numpy as np

N = 8192
D_IN = 1024
D_HID = 1024
D_OUT = 1024
E = 16
K = 2
BLW = 0.01


def setup_inputs(seed: int = 0) -> dict:
    key = jax.random.key(seed)
    ks = jax.random.split(key, 6)
    x = jax.random.normal(ks[0], (N, D_IN), dtype=jnp.float32)
    W1 = jax.random.normal(ks[1], (D_HID, D_IN), dtype=jnp.float32) * (1.0 / np.sqrt(D_IN))
    b1 = jnp.zeros((D_HID,), dtype=jnp.float32)
    W2 = jax.random.normal(ks[2], (D_OUT, D_HID), dtype=jnp.float32) * (1.0 / np.sqrt(D_HID))
    b2 = jnp.zeros((D_OUT,), dtype=jnp.float32)
    keys_p = jax.random.uniform(ks[3], (E, D_OUT), dtype=jnp.float32)
    return {"x": x, "W1": W1, "b1": b1, "W2": W2, "b2": b2, "keys": keys_p}


def reference(x, W1, b1, W2, b2, keys):
    # mlp: Linear -> ReLU -> Linear
    h = jax.nn.relu(x @ W1.T + b1) @ W2.T + b2
    logits_gate = h @ keys.T
    score_gate = jax.nn.softmax(logits_gate, axis=-1)
    top_k_scores, top_k_indices = jax.lax.top_k(score_gate, K)
    # num_active > 1 -> renormalize
    top_k_scores = top_k_scores / jnp.sum(top_k_scores, axis=-1, keepdims=True)
    # attention_mask_flat defaults to ones
    mask = jnp.ones((x.shape[0],), dtype=jnp.int32)
    # prod(score_gate.shape[1:-1]) == 1 for 2D input
    num_valid_tokens = mask.sum().astype(jnp.float32)
    mask_f = mask[:, None].astype(jnp.float32)  # unsqueeze once (ndim-1 == 1)
    one_hot = jax.nn.one_hot(top_k_indices, E, dtype=jnp.float32)  # (N, K, E)
    tokens_per_expert = (one_hot * mask_f[..., None]).reshape(-1, E).sum(axis=0) / num_valid_tokens
    score_per_expert = (score_gate * mask_f).reshape(-1, E).sum(axis=0) / num_valid_tokens
    balance_loss = BLW * E * jnp.sum(tokens_per_expert * score_per_expert)
    load = tokens_per_expert * num_valid_tokens
    importance = jnp.float32(0.0)
    selected_keys = jnp.take(keys, top_k_indices, axis=0)  # (N, K, D_OUT)
    return (top_k_indices, top_k_scores, balance_loss, load, importance, selected_keys)

if __name__ == "__main__":
    import jax
    _d = setup_inputs()
    print(jax.jit(kernel)(*tuple(_d.values())))

</pallas_src>

<mosaic_0001>
#map = affine_map<(d0, d1) -> (0, 0)>
#map1 = affine_map<(d0, d1) -> (0)>
module attributes {stable_mosaic.version = 14 : i64} {
  func.func @gather_kernel(%arg0: i32, %arg1: i32, %arg2: memref<16x1024xf32, #tpu.memory_space<hbm>>, %arg3: memref<16384xi32, #tpu.memory_space<hbm>>, %arg4: memref<16384x1024xf32, #tpu.memory_space<hbm>>, %arg5: memref<512xi32, #tpu.memory_space<vmem>>, %arg6: memref<32x1024xf32, #tpu.memory_space<vmem>>, %arg7: memref<32x1024xf32, #tpu.memory_space<vmem>>, %arg8: memref<!tpu.dma_semaphore, #tpu.memory_space<semaphore_mem>>, %arg9: memref<!tpu.dma_semaphore, #tpu.memory_space<semaphore_mem>>, %arg10: memref<!tpu.dma_semaphore, #tpu.memory_space<semaphore_mem>>, %arg11: memref<!tpu.dma_semaphore, #tpu.memory_space<semaphore_mem>>) attributes {dimension_semantics = [#tpu.dimension_semantics<core_parallel>, #tpu.dimension_semantics<subcore_parallel>], iteration_bounds = array<i64: 2, 16>, scalar_prefetch = 0 : i64, scratch_operands = 7 : i64, tpu.core_type = #tpu.core_type<sc_vector_subcore>, window_params = [{transform_indices = #map}, {transform_indices = #map1}, {transform_indices = #map}]} {
    %mul3A = arith.constant 2 : i32
    %mul3A_0 = arith.muli %arg1, %mul3A : i32
    %add3A = arith.addi %mul3A_0, %arg0 : i32
    %mul3A_1 = arith.constant 512 : i32
    %mul3A_2 = arith.muli %add3A, %mul3A_1 : i32
    "tpu.region"() ({
      %run_scoped3A = tpu.sem_alloc : memref<!tpu.dma_semaphore, #tpu.memory_space<semaphore_mem>>
      %dma_start3A_321 = tpu.memref_slice %arg3[%mul3A_2] : memref<16384xi32, #tpu.memory_space<hbm>> -> memref<512xi32, #tpu.memory_space<hbm>>
      %dma_start3A_322 = tpu.memref_slice %arg3[%mul3A_2] : memref<16384xi32, #tpu.memory_space<hbm>> -> memref<512xi32, #tpu.memory_space<hbm>>
      tpu.enqueue_dma source(%dma_start3A_322 : memref<512xi32, #tpu.memory_space<hbm>>) target(%arg5 : memref<512xi32, #tpu.memory_space<vmem>>) target_semaphore(%run_scoped3A : memref<!tpu.dma_semaphore, #tpu.memory_space<semaphore_mem>>)
      %dma_wait3A_323 = tpu.memref_slice %arg3[%mul3A_2] : memref<16384xi32, #tpu.memory_space<hbm>> -> memref<512xi32, #tpu.memory_space<hbm>>
      %dma_wait3A_324 = tpu.memref_slice %arg3[%mul3A_2] : memref<16384xi32, #tpu.memory_space<hbm>> -> memref<512xi32, #tpu.memory_space<hbm>>
      tpu.wait_dma2 semaphore(%run_scoped3A : memref<!tpu.dma_semaphore, #tpu.memory_space<semaphore_mem>>) src(%dma_wait3A_324 : memref<512xi32, #tpu.memory_space<hbm>>) dst(%arg5 : memref<512xi32, #tpu.memory_space<vmem>>)
      tpu.yield
    }) : () -> ()
    %dma_start3A = arith.constant 0 : i32
    %dma_start3A_3 = tpu.memref_slice %arg5[%dma_start3A] : memref<512xi32, #tpu.memory_space<vmem>> -> memref<32xi32, #tpu.memory_space<vmem>>
    %dma_start3A_4 = arith.constant 0 : i32
    %dma_start3A_5 = arith.constant 0 : i32
    %dma_start3A_6 = tpu.memref_slice %arg2[%dma_start3A_4, %dma_start3A_5] : memref<16x1024xf32, #tpu.memory_space<hbm>> -> memref<16x1024xf32, #tpu.memory_space<hbm>>
    tpu.enqueue_indirect_dma source(%dma_start3A_6 : memref<16x1024xf32, #tpu.memory_space<hbm>>) target(%arg6 : memref<32x1024xf32, #tpu.memory_space<vmem>>) offsets(%dma_start3A_3 : memref<32xi32, #tpu.memory_space<vmem>>) semaphore(%arg8 : memref<!tpu.dma_semaphore, #tpu.memory_space<semaphore_mem>>)
    %dma_start3A_7 = arith.constant 32 : i32
    %dma_start3A_8 = tpu.memref_slice %arg5[%dma_start3A_7] : memref<512xi32, #tpu.memory_space<vmem>> -> memref<32xi32, #tpu.memory_space<vmem>>
    %dma_start3A_9 = arith.constant 0 : i32
    %dma_start3A_10 = arith.constant 0 : i32
    %dma_start3A_11 = tpu.memref_slice %arg2[%dma_start3A_9, %dma_start3A_10] : memref<16x1024xf32, #tpu.memory_space<hbm>> -> memref<16x1024xf32, #tpu.memory_space<hbm>>
    tpu.enqueue_indirect_dma source(%dma_start3A_11 : memref<16x1024xf32, #tpu.memory_space<hbm>>) target(%arg7 : memref<32x1024xf32, #tpu.memory_space<vmem>>) offsets(%dma_start3A_8 : memref<32xi32, #tpu.memory_space<vmem>>) semaphore(%arg9 : memref<!tpu.dma_semaphore, #tpu.memory_space<semaphore_mem>>)
    %dma_wait3A = arith.constant 0 : i32
    %dma_wait3A_12 = tpu.memref_slice %arg5[%dma_wait3A] : memref<512xi32, #tpu.memory_space<vmem>> -> memref<32xi32, #tpu.memory_space<vmem>>
    %dma_wait3A_13 = arith.constant 0 : i32
    %dma_wait3A_14 = arith.constant 0 : i32
    %dma_wait3A_15 = tpu.memref_slice %arg2[%dma_wait3A_13, %dma_wait3A_14] : memref<16x1024xf32, #tpu.memory_space<hbm>> -> memref<16x1024xf32, #tpu.memory_space<hbm>>
    tpu.wait_indirect_dma semaphore(%arg8 : memref<!tpu.dma_semaphore, #tpu.memory_space<semaphore_mem>>) src(%dma_wait3A_15 : memref<16x1024xf32, #tpu.memory_space<hbm>>) dst(%arg6 : memref<32x1024xf32, #tpu.memory_space<vmem>>)
    %add3A_16 = arith.constant 0 : i32
    %add3A_17 = arith.addi %mul3A_2, %add3A_16 : i32
    %dma_start3A_18 = arith.constant 0 : i32
    %dma_start3A_19 = tpu.memref_slice %arg4[%add3A_17, %dma_start3A_18] : memref<16384x1024xf32, #tpu.memory_space<hbm>> -> memref<32x1024xf32, #tpu.memory_space<hbm>>
    %dma_start3A_20 = arith.constant 0 : i32
    %dma_start3A_21 = tpu.memref_slice %arg4[%add3A_17, %dma_start3A_20] : memref<16384x1024xf32, #tpu.memory_space<hbm>> -> memref<32x1024xf32, #tpu.memory_space<hbm>>
    tpu.enqueue_dma source(%arg6 : memref<32x1024xf32, #tpu.memory_space<vmem>>) target(%dma_start3A_21 : memref<32x1024xf32, #tpu.memory_space<hbm>>) target_semaphore(%arg10 : memref<!tpu.dma_semaphore, #tpu.memory_space<semaphore_mem>>)
    %dma_wait3A_22 = arith.constant 0 : i32
    %dma_wait3A_23 = tpu.memref_slice %arg4[%add3A_17, %dma_wait3A_22] : memref<16384x1024xf32, #tpu.memory_space<hbm>> -> memref<32x1024xf32, #tpu.memory_space<hbm>>
    %dma_wait3A_24 = arith.constant 0 : i32
    %dma_wait3A_25 = tpu.memref_slice %arg4[%add3A_17, %dma_wait3A_24] : memref<16384x1024xf32, #tpu.memory_space<hbm>> -> memref<32x1024xf32, #tpu.memory_space<hbm>>
    tpu.wait_dma2 semaphore(%arg10 : memref<!tpu.dma_semaphore, #tpu.memory_space<semaphore_mem>>) src(%arg6 : memref<32x1024xf32, #tpu.memory_space<vmem>>) dst(%dma_wait3A_25 : memref<32x1024xf32, #tpu.memory_space<hbm>>)
    %dma_start3A_26 = arith.constant 64 : i32
    %dma_start3A_27 = tpu.memref_slice %arg5[%dma_start3A_26] : memref<512xi32, #tpu.memory_space<vmem>> -> memref<32xi32, #tpu.memory_space<vmem>>
    %dma_start3A_28 = arith.constant 0 : i32
    %dma_start3A_29 = arith.constant 0 : i32
    %dma_start3A_30 = tpu.memref_slice %arg2[%dma_start3A_28, %dma_start3A_29] : memref<16x1024xf32, #tpu.memory_space<hbm>> -> memref<16x1024xf32, #tpu.memory_space<hbm>>
    tpu.enqueue_indirect_dma source(%dma_start3A_30 : memref<16x1024xf32, #tpu.memory_space<hbm>>) target(%arg6 : memref<32x1024xf32, #tpu.memory_space<vmem>>) offsets(%dma_start3A_27 : memref<32xi32, #tpu.memory_space<vmem>>) semaphore(%arg8 : memref<!tpu.dma_semaphore, #tpu.memory_space<semaphore_mem>>)
    %dma_wait3A_31 = arith.constant 32 : i32
    %dma_wait3A_32 = tpu.memref_slice %arg5[%dma_wait3A_31] : memref<512xi32, #tpu.memory_space<vmem>> -> memref<32xi32, #tpu.memory_space<vmem>>
    %dma_wait3A_33 = arith.constant 0 : i32
    %dma_wait3A_34 = arith.constant 0 : i32
    %dma_wait3A_35 = tpu.memref_slice %arg2[%dma_wait3A_33, %dma_wait3A_34] : memref<16x1024xf32, #tpu.memory_space<hbm>> -> memref<16x1024xf32, #tpu.memory_space<hbm>>
    tpu.wait_indirect_dma semaphore(%arg9 : memref<!tpu.dma_semaphore, #tpu.memory_space<semaphore_mem>>) src(%dma_wait3A_35 : memref<16x1024xf32, #tpu.memory_space<hbm>>) dst(%arg7 : memref<32x1024xf32, #tpu.memory_space<vmem>>)
    %add3A_36 = arith.constant 32 : i32
    %add3A_37 = arith.addi %mul3A_2, %add3A_36 : i32
    %dma_start3A_38 = arith.constant 0 : i32
    %dma_start3A_39 = tpu.memref_slice %arg4[%add3A_37, %dma_start3A_38] : memref<16384x1024xf32, #tpu.memory_space<hbm>> -> memref<32x1024xf32, #tpu.memory_space<hbm>>
    %dma_start3A_40 = arith.constant 0 : i32
    %dma_start3A_41 = tpu.memref_slice %arg4[%add3A_37, %dma_start3A_40] : memref<16384x1024xf32, #tpu.memory_space<hbm>> -> memref<32x1024xf32, #tpu.memory_space<hbm>>
    tpu.enqueue_dma source(%arg7 : memref<32x1024xf32, #tpu.memory_space<vmem>>) target(%dma_start3A_41 : memref<32x1024xf32, #tpu.memory_space<hbm>>) target_semaphore(%arg11 : memref<!tpu.dma_semaphore, #tpu.memory_space<semaphore_mem>>)
    %dma_wait3A_42 = arith.constant 0 : i32
    %dma_wait3A_43 = tpu.memref_slice %arg4[%add3A_37, %dma_wait3A_42] : memref<16384x1024xf32, #tpu.memory_space<hbm>> -> memref<32x1024xf32, #tpu.memory_space<hbm>>
    %dma_wait3A_44 = arith.constant 0 : i32
    %dma_wait3A_45 = tpu.memref_slice %arg4[%add3A_37, %dma_wait3A_44] : memref<16384x1024xf32, #tpu.memory_space<hbm>> -> memref<32x1024xf32, #tpu.memory_space<hbm>>
    tpu.wait_dma2 semaphore(%arg11 : memref<!tpu.dma_semaphore, #tpu.memory_space<semaphore_mem>>) src(%arg7 : memref<32x1024xf32, #tpu.memory_space<vmem>>) dst(%dma_wait3A_45 : memref<32x1024xf32, #tpu.memory_space<hbm>>)
    %dma_start3A_46 = arith.constant 96 : i32
    %dma_start3A_47 = tpu.memref_slice %arg5[%dma_start3A_46] : memref<512xi32, #tpu.memory_space<vmem>> -> memref<32xi32, #tpu.memory_space<vmem>>
    %dma_start3A_48 = arith.constant 0 : i32
    %dma_start3A_49 = arith.constant 0 : i32
    %dma_start3A_50 = tpu.memref_slice %arg2[%dma_start3A_48, %dma_start3A_49] : memref<16x1024xf32, #tpu.memory_space<hbm>> -> memref<16x1024xf32, #tpu.memory_space<hbm>>
    tpu.enqueue_indirect_dma source(%dma_start3A_50 : memref<16x1024xf32, #tpu.memory_space<hbm>>) target(%arg7 : memref<32x1024xf32, #tpu.memory_space<vmem>>) offsets(%dma_start3A_47 : memref<32xi32, #tpu.memory_space<vmem>>) semaphore(%arg9 : memref<!tpu.dma_semaphore, #tpu.memory_space<semaphore_mem>>)
    %dma_wait3A_51 = arith.constant 64 : i32
    %dma_wait3A_52 = tpu.memref_slice %arg5[%dma_wait3A_51] : memref<512xi32, #tpu.memory_space<vmem>> -> memref<32xi32, #tpu.memory_space<vmem>>
    %dma_wait3A_53 = arith.constant 0 : i32
    %dma_wait3A_54 = arith.constant 0 : i32
    %dma_wait3A_55 = tpu.memref_slice %arg2[%dma_wait3A_53, %dma_wait3A_54] : memref<16x1024xf32, #tpu.memory_space<hbm>> -> memref<16x1024xf32, #tpu.memory_space<hbm>>
    tpu.wait_indirect_dma semaphore(%arg8 : memref<!tpu.dma_semaphore, #tpu.memory_space<semaphore_mem>>) src(%dma_wait3A_55 : memref<16x1024xf32, #tpu.memory_space<hbm>>) dst(%arg6 : memref<32x1024xf32, #tpu.memory_space<vmem>>)
    %add3A_56 = arith.constant 64 : i32
    %add3A_57 = arith.addi %mul3A_2, %add3A_56 : i32
    %dma_start3A_58 = arith.constant 0 : i32
    %dma_start3A_59 = tpu.memref_slice %arg4[%add3A_57, %dma_start3A_58] : memref<16384x1024xf32, #tpu.memory_space<hbm>> -> memref<32x1024xf32, #tpu.memory_space<hbm>>
    %dma_start3A_60 = arith.constant 0 : i32
    %dma_start3A_61 = tpu.memref_slice %arg4[%add3A_57, %dma_start3A_60] : memref<16384x1024xf32, #tpu.memory_space<hbm>> -> memref<32x1024xf32, #tpu.memory_space<hbm>>
    tpu.enqueue_dma source(%arg6 : memref<32x1024xf32, #tpu.memory_space<vmem>>) target(%dma_start3A_61 : memref<32x1024xf32, #tpu.memory_space<hbm>>) target_semaphore(%arg10 : memref<!tpu.dma_semaphore, #tpu.memory_space<semaphore_mem>>)
    %dma_wait3A_62 = arith.constant 0 : i32
    %dma_wait3A_63 = tpu.memref_slice %arg4[%add3A_57, %dma_wait3A_62] : memref<16384x1024xf32, #tpu.memory_space<hbm>> -> memref<32x1024xf32, #tpu.memory_space<hbm>>
    %dma_wait3A_64 = arith.constant 0 : i32
    %dma_wait3A_65 = tpu.memref_slice %arg4[%add3A_57, %dma_wait3A_64] : memref<16384x1024xf32, #tpu.memory_space<hbm>> -> memref<32x1024xf32, #tpu.memory_space<hbm>>
    tpu.wait_dma2 semaphore(%arg10 : memref<!tpu.dma_semaphore, #tpu.memory_space<semaphore_mem>>) src(%arg6 : memref<32x1024xf32, #tpu.memory_space<vmem>>) dst(%dma_wait3A_65 : memref<32x1024xf32, #tpu.memory_space<hbm>>)
    %dma_start3A_66 = arith.constant 128 : i32
    %dma_start3A_67 = tpu.memref_slice %arg5[%dma_start3A_66] : memref<512xi32, #tpu.memory_space<vmem>> -> memref<32xi32, #tpu.memory_space<vmem>>
    %dma_start3A_68 = arith.constant 0 : i32
    %dma_start3A_69 = arith.constant 0 : i32
    %dma_start3A_70 = tpu.memref_slice %arg2[%dma_start3A_68, %dma_start3A_69] : memref<16x1024xf32, #tpu.memory_space<hbm>> -> memref<16x1024xf32, #tpu.memory_space<hbm>>
    tpu.enqueue_indirect_dma source(%dma_start3A_70 : memref<16x1024xf32, #tpu.memory_space<hbm>>) target(%arg6 : memref<32x1024xf32, #tpu.memory_space<vmem>>) offsets(%dma_start3A_67 : memref<32xi32, #tpu.memory_space<vmem>>) semaphore(%arg8 : memref<!tpu.dma_semaphore, #tpu.memory_space<semaphore_mem>>)
    %dma_wait3A_71 = arith.constant 96 : i32
    %dma_wait3A_72 = tpu.memref_slice %arg5[%dma_wait3A_71] : memref<512xi32, #tpu.memory_space<vmem>> -> memref<32xi32, #tpu.memory_space<vmem>>
    %dma_wait3A_73 = arith.constant 0 : i32
    %dma_wait3A_74 = arith.constant 0 : i32
    %dma_wait3A_75 = tpu.memref_slice %arg2[%dma_wait3A_73, %dma_wait3A_74] : memref<16x1024xf32, #tpu.memory_space<hbm>> -> memref<16x1024xf32, #tpu.memory_space<hbm>>
    tpu.wait_indirect_dma semaphore(%arg9 : memref<!tpu.dma_semaphore, #tpu.memory_space<semaphore_mem>>) src(%dma_wait3A_75 : memref<16x1024xf32, #tpu.memory_space<hbm>>) dst(%arg7 : memref<32x1024xf32, #tpu.memory_space<vmem>>)
    %add3A_76 = arith.constant 96 : i32
    %add3A_77 = arith.addi %mul3A_2, %add3A_76 : i32
    %dma_start3A_78 = arith.constant 0 : i32
    %dma_start3A_79 = tpu.memref_slice %arg4[%add3A_77, %dma_start3A_78] : memref<16384x1024xf32, #tpu.memory_space<hbm>> -> memref<32x1024xf32, #tpu.memory_space<hbm>>
    %dma_start3A_80 = arith.constant 0 : i32
    %dma_start3A_81 = tpu.memref_slice %arg4[%add3A_77, %dma_start3A_80] : memref<16384x1024xf32, #tpu.memory_space<hbm>> -> memref<32x1024xf32, #tpu.memory_space<hbm>>
    tpu.enqueue_dma source(%arg7 : memref<32x1024xf32, #tpu.memory_space<vmem>>) target(%dma_start3A_81 : memref<32x1024xf32, #tpu.memory_space<hbm>>) target_semaphore(%arg11 : memref<!tpu.dma_semaphore, #tpu.memory_space<semaphore_mem>>)
    %dma_wait3A_82 = arith.constant 0 : i32
    %dma_wait3A_83 = tpu.memref_slice %arg4[%add3A_77, %dma_wait3A_82] : memref<16384x1024xf32, #tpu.memory_space<hbm>> -> memref<32x1024xf32, #tpu.memory_space<hbm>>
    %dma_wait3A_84 = arith.constant 0 : i32
    %dma_wait3A_85 = tpu.memref_slice %arg4[%add3A_77, %dma_wait3A_84] : memref<16384x1024xf32, #tpu.memory_space<hbm>> -> memref<32x1024xf32, #tpu.memory_space<hbm>>
    tpu.wait_dma2 semaphore(%arg11 : memref<!tpu.dma_semaphore, #tpu.memory_space<semaphore_mem>>) src(%arg7 : memref<32x1024xf32, #tpu.memory_space<vmem>>) dst(%dma_wait3A_85 : memref<32x1024xf32, #tpu.memory_space<hbm>>)
    %dma_start3A_86 = arith.constant 160 : i32
    %dma_start3A_87 = tpu.memref_slice %arg5[%dma_start3A_86] : memref<512xi32, #tpu.memory_space<vmem>> -> memref<32xi32, #tpu.memory_space<vmem>>
    %dma_start3A_88 = arith.constant 0 : i32
    %dma_start3A_89 = arith.constant 0 : i32
    %dma_start3A_90 = tpu.memref_slice %arg2[%dma_start3A_88, %dma_start3A_89] : memref<16x1024xf32, #tpu.memory_space<hbm>> -> memref<16x1024xf32, #tpu.memory_space<hbm>>
    tpu.enqueue_indirect_dma source(%dma_start3A_90 : memref<16x1024xf32, #tpu.memory_space<hbm>>) target(%arg7 : memref<32x1024xf32, #tpu.memory_space<vmem>>) offsets(%dma_start3A_87 : memref<32xi32, #tpu.memory_space<vmem>>) semaphore(%arg9 : memref<!tpu.dma_semaphore, #tpu.memory_space<semaphore_mem>>)
    %dma_wait3A_91 = arith.constant 128 : i32
    %dma_wait3A_92 = tpu.memref_slice %arg5[%dma_wait3A_91] : memref<512xi32, #tpu.memory_space<vmem>> -> memref<32xi32, #tpu.memory_space<vmem>>
    %dma_wait3A_93 = arith.constant 0 : i32
    %dma_wait3A_94 = arith.constant 0 : i32
    %dma_wait3A_95 = tpu.memref_slice %arg2[%dma_wait3A_93, %dma_wait3A_94] : memref<16x1024xf32, #tpu.memory_space<hbm>> -> memref<16x1024xf32, #tpu.memory_space<hbm>>
    tpu.wait_indirect_dma semaphore(%arg8 : memref<!tpu.dma_semaphore, #tpu.memory_space<semaphore_mem>>) src(%dma_wait3A_95 : memref<16x1024xf32, #tpu.memory_space<hbm>>) dst(%arg6 : memref<32x1024xf32, #tpu.memory_space<vmem>>)
    %add3A_96 = arith.constant 128 : i32
    %add3A_97 = arith.addi %mul3A_2, %add3A_96 : i32
    %dma_start3A_98 = arith.constant 0 : i32
    %dma_start3A_99 = tpu.memref_slice %arg4[%add3A_97, %dma_start3A_98] : memref<16384x1024xf32, #tpu.memory_space<hbm>> -> memref<32x1024xf32, #tpu.memory_space<hbm>>
    %dma_start3A_100 = arith.constant 0 : i32
    %dma_start3A_101 = tpu.memref_slice %arg4[%add3A_97, %dma_start3A_100] : memref<16384x1024xf32, #tpu.memory_space<hbm>> -> memref<32x1024xf32, #tpu.memory_space<hbm>>
    tpu.enqueue_dma source(%arg6 : memref<32x1024xf32, #tpu.memory_space<vmem>>) target(%dma_start3A_101 : memref<32x1024xf32, #tpu.memory_space<hbm>>) target_semaphore(%arg10 : memref<!tpu.dma_semaphore, #tpu.memory_space<semaphore_mem>>)
    %dma_wait3A_102 = arith.constant 0 : i32
    %dma_wait3A_103 = tpu.memref_slice %arg4[%add3A_97, %dma_wait3A_102] : memref<16384x1024xf32, #tpu.memory_space<hbm>> -> memref<32x1024xf32, #tpu.memory_space<hbm>>
    %dma_wait3A_104 = arith.constant 0 : i32
    %dma_wait3A_105 = tpu.memref_slice %arg4[%add3A_97, %dma_wait3A_104] : memref<16384x1024xf32, #tpu.memory_space<hbm>> -> memref<32x1024xf32, #tpu.memory_space<hbm>>
    tpu.wait_dma2 semaphore(%arg10 : memref<!tpu.dma_semaphore, #tpu.memory_space<semaphore_mem>>) src(%arg6 : memref<32x1024xf32, #tpu.memory_space<vmem>>) dst(%dma_wait3A_105 : memref<32x1024xf32, #tpu.memory_space<hbm>>)
    %dma_start3A_106 = arith.constant 192 : i32
    %dma_start3A_107 = tpu.memref_slice %arg5[%dma_start3A_106] : memref<512xi32, #tpu.memory_space<vmem>> -> memref<32xi32, #tpu.memory_space<vmem>>
    %dma_start3A_108 = arith.constant 0 : i32
    %dma_start3A_109 = arith.constant 0 : i32
    %dma_start3A_110 = tpu.memref_slice %arg2[%dma_start3A_108, %dma_start3A_109] : memref<16x1024xf32, #tpu.memory_space<hbm>> -> memref<16x1024xf32, #tpu.memory_space<hbm>>
    tpu.enqueue_indirect_dma source(%dma_start3A_110 : memref<16x1024xf32, #tpu.memory_space<hbm>>) target(%arg6 : memref<32x1024xf32, #tpu.memory_space<vmem>>) offsets(%dma_start3A_107 : memref<32xi32, #tpu.memory_space<vmem>>) semaphore(%arg8 : memref<!tpu.dma_semaphore, #tpu.memory_space<semaphore_mem>>)
    %dma_wait3A_111 = arith.constant 160 : i32
    %dma_wait3A_112 = tpu.memref_slice %arg5[%dma_wait3A_111] : memref<512xi32, #tpu.memory_space<vmem>> -> memref<32xi32, #tpu.memory_space<vmem>>
    %dma_wait3A_113 = arith.constant 0 : i32
    %dma_wait3A_114 = arith.constant 0 : i32
    %dma_wait3A_115 = tpu.memref_slice %arg2[%dma_wait3A_113, %dma_wait3A_114] : memref<16x1024xf32, #tpu.memory_space<hbm>> -> memref<16x1024xf32, #tpu.memory_space<hbm>>
    tpu.wait_indirect_dma semaphore(%arg9 : memref<!tpu.dma_semaphore, #tpu.memory_space<semaphore_mem>>) src(%dma_wait3A_115 : memref<16x1024xf32, #tpu.memory_space<hbm>>) dst(%arg7 : memref<32x1024xf32, #tpu.memory_space<vmem>>)
    %add3A_116 = arith.constant 160 : i32
    %add3A_117 = arith.addi %mul3A_2, %add3A_116 : i32
    %dma_start3A_118 = arith.constant 0 : i32
    %dma_start3A_119 = tpu.memref_slice %arg4[%add3A_117, %dma_start3A_118] : memref<16384x1024xf32, #tpu.memory_space<hbm>> -> memref<32x1024xf32, #tpu.memory_space<hbm>>
    %dma_start3A_120 = arith.constant 0 : i32
    %dma_start3A_121 = tpu.memref_slice %arg4[%add3A_117, %dma_start3A_120] : memref<16384x1024xf32, #tpu.memory_space<hbm>> -> memref<32x1024xf32, #tpu.memory_space<hbm>>
    tpu.enqueue_dma source(%arg7 : memref<32x1024xf32, #tpu.memory_space<vmem>>) target(%dma_start3A_121 : memref<32x1024xf32, #tpu.memory_space<hbm>>) target_semaphore(%arg11 : memref<!tpu.dma_semaphore, #tpu.memory_space<semaphore_mem>>)
    %dma_wait3A_122 = arith.constant 0 : i32
    %dma_wait3A_123 = tpu.memref_slice %arg4[%add3A_117, %dma_wait3A_122] : memref<16384x1024xf32, #tpu.memory_space<hbm>> -> memref<32x1024xf32, #tpu.memory_space<hbm>>
    %dma_wait3A_124 = arith.constant 0 : i32
    %dma_wait3A_125 = tpu.memref_slice %arg4[%add3A_117, %dma_wait3A_124] : memref<16384x1024xf32, #tpu.memory_space<hbm>> -> memref<32x1024xf32, #tpu.memory_space<hbm>>
    tpu.wait_dma2 semaphore(%arg11 : memref<!tpu.dma_semaphore, #tpu.memory_space<semaphore_mem>>) src(%arg7 : memref<32x1024xf32, #tpu.memory_space<vmem>>) dst(%dma_wait3A_125 : memref<32x1024xf32, #tpu.memory_space<hbm>>)
    %dma_start3A_126 = arith.constant 224 : i32
    %dma_start3A_127 = tpu.memref_slice %arg5[%dma_start3A_126] : memref<512xi32, #tpu.memory_space<vmem>> -> memref<32xi32, #tpu.memory_space<vmem>>
    %dma_start3A_128 = arith.constant 0 : i32
    %dma_start3A_129 = arith.constant 0 : i32
    %dma_start3A_130 = tpu.memref_slice %arg2[%dma_start3A_128, %dma_start3A_129] : memref<16x1024xf32, #tpu.memory_space<hbm>> -> memref<16x1024xf32, #tpu.memory_space<hbm>>
    tpu.enqueue_indirect_dma source(%dma_start3A_130 : memref<16x1024xf32, #tpu.memory_space<hbm>>) target(%arg7 : memref<32x1024xf32, #tpu.memory_space<vmem>>) offsets(%dma_start3A_127 : memref<32xi32, #tpu.memory_space<vmem>>) semaphore(%arg9 : memref<!tpu.dma_semaphore, #tpu.memory_space<semaphore_mem>>)
    %dma_wait3A_131 = arith.constant 192 : i32
    %dma_wait3A_132 = tpu.memref_slice %arg5[%dma_wait3A_131] : memref<512xi32, #tpu.memory_space<vmem>> -> memref<32xi32, #tpu.memory_space<vmem>>
    %dma_wait3A_133 = arith.constant 0 : i32
    %dma_wait3A_134 = arith.constant 0 : i32
    %dma_wait3A_135 = tpu.memref_slice %arg2[%dma_wait3A_133, %dma_wait3A_134] : memref<16x1024xf32, #tpu.memory_space<hbm>> -> memref<16x1024xf32, #tpu.memory_space<hbm>>
    tpu.wait_indirect_dma semaphore(%arg8 : memref<!tpu.dma_semaphore, #tpu.memory_space<semaphore_mem>>) src(%dma_wait3A_135 : memref<16x1024xf32, #tpu.memory_space<hbm>>) dst(%arg6 : memref<32x1024xf32, #tpu.memory_space<vmem>>)
    %add3A_136 = arith.constant 192 : i32
    %add3A_137 = arith.addi %mul3A_2, %add3A_136 : i32
    %dma_start3A_138 = arith.constant 0 : i32
    %dma_start3A_139 = tpu.memref_slice %arg4[%add3A_137, %dma_start3A_138] : memref<16384x1024xf32, #tpu.memory_space<hbm>> -> memref<32x1024xf32, #tpu.memory_space<hbm>>
    %dma_start3A_140 = arith.constant 0 : i32
    %dma_start3A_141 = tpu.memref_slice %arg4[%add3A_137, %dma_start3A_140] : memref<16384x1024xf32, #tpu.memory_space<hbm>> -> memref<32x1024xf32, #tpu.memory_space<hbm>>
    tpu.enqueue_dma source(%arg6 : memref<32x1024xf32, #tpu.memory_space<vmem>>) target(%dma_start3A_141 : memref<32x1024xf32, #tpu.memory_space<hbm>>) target_semaphore(%arg10 : memref<!tpu.dma_semaphore, #tpu.memory_space<semaphore_mem>>)
    %dma_wait3A_142 = arith.constant 0 : i32
    %dma_wait3A_143 = tpu.memref_slice %arg4[%add3A_137, %dma_wait3A_142] : memref<16384x1024xf32, #tpu.memory_space<hbm>> -> memref<32x1024xf32, #tpu.memory_space<hbm>>
    %dma_wait3A_144 = arith.constant 0 : i32
    %dma_wait3A_145 = tpu.memref_slice %arg4[%add3A_137, %dma_wait3A_144] : memref<16384x1024xf32, #tpu.memory_space<hbm>> -> memref<32x1024xf32, #tpu.memory_space<hbm>>
    tpu.wait_dma2 semaphore(%arg10 : memref<!tpu.dma_semaphore, #tpu.memory_space<semaphore_mem>>) src(%arg6 : memref<32x1024xf32, #tpu.memory_space<vmem>>) dst(%dma_wait3A_145 : memref<32x1024xf32, #tpu.memory_space<hbm>>)
    %dma_start3A_146 = arith.constant 256 : i32
    %dma_start3A_147 = tpu.memref_slice %arg5[%dma_start3A_146] : memref<512xi32, #tpu.memory_space<vmem>> -> memref<32xi32, #tpu.memory_space<vmem>>
    %dma_start3A_148 = arith.constant 0 : i32
    %dma_start3A_149 = arith.constant 0 : i32
    %dma_start3A_150 = tpu.memref_slice %arg2[%dma_start3A_148, %dma_start3A_149] : memref<16x1024xf32, #tpu.memory_space<hbm>> -> memref<16x1024xf32, #tpu.memory_space<hbm>>
    tpu.enqueue_indirect_dma source(%dma_start3A_150 : memref<16x1024xf32, #tpu.memory_space<hbm>>) target(%arg6 : memref<32x1024xf32, #tpu.memory_space<vmem>>) offsets(%dma_start3A_147 : memref<32xi32, #tpu.memory_space<vmem>>) semaphore(%arg8 : memref<!tpu.dma_semaphore, #tpu.memory_space<semaphore_mem>>)
    %dma_wait3A_151 = arith.constant 224 : i32
    %dma_wait3A_152 = tpu.memref_slice %arg5[%dma_wait3A_151] : memref<512xi32, #tpu.memory_space<vmem>> -> memref<32xi32, #tpu.memory_space<vmem>>
    %dma_wait3A_153 = arith.constant 0 : i32
    %dma_wait3A_154 = arith.constant 0 : i32
    %dma_wait3A_155 = tpu.memref_slice %arg2[%dma_wait3A_153, %dma_wait3A_154] : memref<16x1024xf32, #tpu.memory_space<hbm>> -> memref<16x1024xf32, #tpu.memory_space<hbm>>
    tpu.wait_indirect_dma semaphore(%arg9 : memref<!tpu.dma_semaphore, #tpu.memory_space<semaphore_mem>>) src(%dma_wait3A_155 : memref<16x1024xf32, #tpu.memory_space<hbm>>) dst(%arg7 : memref<32x1024xf32, #tpu.memory_space<vmem>>)
    %add3A_156 = arith.constant 224 : i32
    %add3A_157 = arith.addi %mul3A_2, %add3A_156 : i32
    %dma_start3A_158 = arith.constant 0 : i32
    %dma_start3A_159 = tpu.memref_slice %arg4[%add3A_157, %dma_start3A_158] : memref<16384x1024xf32, #tpu.memory_space<hbm>> -> memref<32x1024xf32, #tpu.memory_space<hbm>>
    %dma_start3A_160 = arith.constant 0 : i32
    %dma_start3A_161 = tpu.memref_slice %arg4[%add3A_157, %dma_start3A_160] : memref<16384x1024xf32, #tpu.memory_space<hbm>> -> memref<32x1024xf32, #tpu.memory_space<hbm>>
    tpu.enqueue_dma source(%arg7 : memref<32x1024xf32, #tpu.memory_space<vmem>>) target(%dma_start3A_161 : memref<32x1024xf32, #tpu.memory_space<hbm>>) target_semaphore(%arg11 : memref<!tpu.dma_semaphore, #tpu.memory_space<semaphore_mem>>)
    %dma_wait3A_162 = arith.constant 0 : i32
    %dma_wait3A_163 = tpu.memref_slice %arg4[%add3A_157, %dma_wait3A_162] : memref<16384x1024xf32, #tpu.memory_space<hbm>> -> memref<32x1024xf32, #tpu.memory_space<hbm>>
    %dma_wait3A_164 = arith.constant 0 : i32
    %dma_wait3A_165 = tpu.memref_slice %arg4[%add3A_157, %dma_wait3A_164] : memref<16384x1024xf32, #tpu.memory_space<hbm>> -> memref<32x1024xf32, #tpu.memory_space<hbm>>
    tpu.wait_dma2 semaphore(%arg11 : memref<!tpu.dma_semaphore, #tpu.memory_space<semaphore_mem>>) src(%arg7 : memref<32x1024xf32, #tpu.memory_space<vmem>>) dst(%dma_wait3A_165 : memref<32x1024xf32, #tpu.memory_space<hbm>>)
    %dma_start3A_166 = arith.constant 288 : i32
    %dma_start3A_167 = tpu.memref_slice %arg5[%dma_start3A_166] : memref<512xi32, #tpu.memory_space<vmem>> -> memref<32xi32, #tpu.memory_space<vmem>>
    %dma_start3A_168 = arith.constant 0 : i32
    %dma_start3A_169 = arith.constant 0 : i32
    %dma_start3A_170 = tpu.memref_slice %arg2[%dma_start3A_168, %dma_start3A_169] : memref<16x1024xf32, #tpu.memory_space<hbm>> -> memref<16x1024xf32, #tpu.memory_space<hbm>>
    tpu.enqueue_indirect_dma source(%dma_start3A_170 : memref<16x1024xf32, #tpu.memory_space<hbm>>) target(%arg7 : memref<32x1024xf32, #tpu.memory_space<vmem>>) offsets(%dma_start3A_167 : memref<32xi32, #tpu.memory_space<vmem>>) semaphore(%arg9 : memref<!tpu.dma_semaphore, #tpu.memory_space<semaphore_mem>>)
    %dma_wait3A_171 = arith.constant 256 : i32
    %dma_wait3A_172 = tpu.memref_slice %arg5[%dma_wait3A_171] : memref<512xi32, #tpu.memory_space<vmem>> -> memref<32xi32, #tpu.memory_space<vmem>>
    %dma_wait3A_173 = arith.constant 0 : i32
    %dma_wait3A_174 = arith.constant 0 : i32
    %dma_wait3A_175 = tpu.memref_slice %arg2[%dma_wait3A_173, %dma_wait3A_174] : memref<16x1024xf32, #tpu.memory_space<hbm>> -> memref<16x1024xf32, #tpu.memory_space<hbm>>
    tpu.wait_indirect_dma semaphore(%arg8 : memref<!tpu.dma_semaphore, #tpu.memory_space<semaphore_mem>>) src(%dma_wait3A_175 : memref<16x1024xf32, #tpu.memory_space<hbm>>) dst(%arg6 : memref<32x1024xf32, #tpu.memory_space<vmem>>)
    %add3A_176 = arith.constant 256 : i32
    %add3A_177 = arith.addi %mul3A_2, %add3A_176 : i32
    %dma_start3A_178 = arith.constant 0 : i32
    %dma_start3A_179 = tpu.memref_slice %arg4[%add3A_177, %dma_start3A_178] : memref<16384x1024xf32, #tpu.memory_space<hbm>> -> memref<32x1024xf32, #tpu.memory_space<hbm>>
    %dma_start3A_180 = arith.constant 0 : i32
    %dma_start3A_181 = tpu.memref_slice %arg4[%add3A_177, %dma_start3A_180] : memref<16384x1024xf32, #tpu.memory_space<hbm>> -> memref<32x1024xf32, #tpu.memory_space<hbm>>
    tpu.enqueue_dma source(%arg6 : memref<32x1024xf32, #tpu.memory_space<vmem>>) target(%dma_start3A_181 : memref<32x1024xf32, #tpu.memory_space<hbm>>) target_semaphore(%arg10 : memref<!tpu.dma_semaphore, #tpu.memory_space<semaphore_mem>>)
    %dma_wait3A_182 = arith.constant 0 : i32
    %dma_wait3A_183 = tpu.memref_slice %arg4[%add3A_177, %dma_wait3A_182] : memref<16384x1024xf32, #tpu.memory_space<hbm>> -> memref<32x1024xf32, #tpu.memory_space<hbm>>
    %dma_wait3A_184 = arith.constant 0 : i32
    %dma_wait3A_185 = tpu.memref_slice %arg4[%add3A_177, %dma_wait3A_184] : memref<16384x1024xf32, #tpu.memory_space<hbm>> -> memref<32x1024xf32, #tpu.memory_space<hbm>>
    tpu.wait_dma2 semaphore(%arg10 : memref<!tpu.dma_semaphore, #tpu.memory_space<semaphore_mem>>) src(%arg6 : memref<32x1024xf32, #tpu.memory_space<vmem>>) dst(%dma_wait3A_185 : memref<32x1024xf32, #tpu.memory_space<hbm>>)
    %dma_start3A_186 = arith.constant 320 : i32
    %dma_start3A_187 = tpu.memref_slice %arg5[%dma_start3A_186] : memref<512xi32, #tpu.memory_space<vmem>> -> memref<32xi32, #tpu.memory_space<vmem>>
    %dma_start3A_188 = arith.constant 0 : i32
    %dma_start3A_189 = arith.constant 0 : i32
    %dma_start3A_190 = tpu.memref_slice %arg2[%dma_start3A_188, %dma_start3A_189] : memref<16x1024xf32, #tpu.memory_space<hbm>> -> memref<16x1024xf32, #tpu.memory_space<hbm>>
    tpu.enqueue_indirect_dma source(%dma_start3A_190 : memref<16x1024xf32, #tpu.memory_space<hbm>>) target(%arg6 : memref<32x1024xf32, #tpu.memory_space<vmem>>) offsets(%dma_start3A_187 : memref<32xi32, #tpu.memory_space<vmem>>) semaphore(%arg8 : memref<!tpu.dma_semaphore, #tpu.memory_space<semaphore_mem>>)
    %dma_wait3A_191 = arith.constant 288 : i32
    %dma_wait3A_192 = tpu.memref_slice %arg5[%dma_wait3A_191] : memref<512xi32, #tpu.memory_space<vmem>> -> memref<32xi32, #tpu.memory_space<vmem>>
    %dma_wait3A_193 = arith.constant 0 : i32
    %dma_wait3A_194 = arith.constant 0 : i32
    %dma_wait3A_195 = tpu.memref_slice %arg2[%dma_wait3A_193, %dma_wait3A_194] : memref<16x1024xf32, #tpu.memory_space<hbm>> -> memref<16x1024xf32, #tpu.memory_space<hbm>>
    tpu.wait_indirect_dma semaphore(%arg9 : memref<!tpu.dma_semaphore, #tpu.memory_space<semaphore_mem>>) src(%dma_wait3A_195 : memref<16x1024xf32, #tpu.memory_space<hbm>>) dst(%arg7 : memref<32x1024xf32, #tpu.memory_space<vmem>>)
    %add3A_196 = arith.constant 288 : i32
    %add3A_197 = arith.addi %mul3A_2, %add3A_196 : i32
    %dma_start3A_198 = arith.constant 0 : i32
    %dma_start3A_199 = tpu.memref_slice %arg4[%add3A_197, %dma_start3A_198] : memref<16384x1024xf32, #tpu.memory_space<hbm>> -> memref<32x1024xf32, #tpu.memory_space<hbm>>
    %dma_start3A_200 = arith.constant 0 : i32
    %dma_start3A_201 = tpu.memref_slice %arg4[%add3A_197, %dma_start3A_200] : memref<16384x1024xf32, #tpu.memory_space<hbm>> -> memref<32x1024xf32, #tpu.memory_space<hbm>>
    tpu.enqueue_dma source(%arg7 : memref<32x1024xf32, #tpu.memory_space<vmem>>) target(%dma_start3A_201 : memref<32x1024xf32, #tpu.memory_space<hbm>>) target_semaphore(%arg11 : memref<!tpu.dma_semaphore, #tpu.memory_space<semaphore_mem>>)
    %dma_wait3A_202 = arith.constant 0 : i32
    %dma_wait3A_203 = tpu.memref_slice %arg4[%add3A_197, %dma_wait3A_202] : memref<16384x1024xf32, #tpu.memory_space<hbm>> -> memref<32x1024xf32, #tpu.memory_space<hbm>>
    %dma_wait3A_204 = arith.constant 0 : i32
    %dma_wait3A_205 = tpu.memref_slice %arg4[%add3A_197, %dma_wait3A_204] : memref<16384x1024xf32, #tpu.memory_space<hbm>> -> memref<32x1024xf32, #tpu.memory_space<hbm>>
    tpu.wait_dma2 semaphore(%arg11 : memref<!tpu.dma_semaphore, #tpu.memory_space<semaphore_mem>>) src(%arg7 : memref<32x1024xf32, #tpu.memory_space<vmem>>) dst(%dma_wait3A_205 : memref<32x1024xf32, #tpu.memory_space<hbm>>)
    %dma_start3A_206 = arith.constant 352 : i32
    %dma_start3A_207 = tpu.memref_slice %arg5[%dma_start3A_206] : memref<512xi32, #tpu.memory_space<vmem>> -> memref<32xi32, #tpu.memory_space<vmem>>
    %dma_start3A_208 = arith.constant 0 : i32
    %dma_start3A_209 = arith.constant 0 : i32
    %dma_start3A_210 = tpu.memref_slice %arg2[%dma_start3A_208, %dma_start3A_209] : memref<16x1024xf32, #tpu.memory_space<hbm>> -> memref<16x1024xf32, #tpu.memory_space<hbm>>
    tpu.enqueue_indirect_dma source(%dma_start3A_210 : memref<16x1024xf32, #tpu.memory_space<hbm>>) target(%arg7 : memref<32x1024xf32, #tpu.memory_space<vmem>>) offsets(%dma_start3A_207 : memref<32xi32, #tpu.memory_space<vmem>>) semaphore(%arg9 : memref<!tpu.dma_semaphore, #tpu.memory_space<semaphore_mem>>)
    %dma_wait3A_211 = arith.constant 320 : i32
    %dma_wait3A_212 = tpu.memref_slice %arg5[%dma_wait3A_211] : memref<512xi32, #tpu.memory_space<vmem>> -> memref<32xi32, #tpu.memory_space<vmem>>
    %dma_wait3A_213 = arith.constant 0 : i32
    %dma_wait3A_214 = arith.constant 0 : i32
    %dma_wait3A_215 = tpu.memref_slice %arg2[%dma_wait3A_213, %dma_wait3A_214] : memref<16x1024xf32, #tpu.memory_space<hbm>> -> memref<16x1024xf32, #tpu.memory_space<hbm>>
    tpu.wait_indirect_dma semaphore(%arg8 : memref<!tpu.dma_semaphore, #tpu.memory_space<semaphore_mem>>) src(%dma_wait3A_215 : memref<16x1024xf32, #tpu.memory_space<hbm>>) dst(%arg6 : memref<32x1024xf32, #tpu.memory_space<vmem>>)
    %add3A_216 = arith.constant 320 : i32
    %add3A_217 = arith.addi %mul3A_2, %add3A_216 : i32
    %dma_start3A_218 = arith.constant 0 : i32
    %dma_start3A_219 = tpu.memref_slice %arg4[%add3A_217, %dma_start3A_218] : memref<16384x1024xf32, #tpu.memory_space<hbm>> -> memref<32x1024xf32, #tpu.memory_space<hbm>>
    %dma_start3A_220 = arith.constant 0 : i32
    %dma_start3A_221 = tpu.memref_slice %arg4[%add3A_217, %dma_start3A_220] : memref<16384x1024xf32, #tpu.memory_space<hbm>> -> memref<32x1024xf32, #tpu.memory_space<hbm>>
    tpu.enqueue_dma source(%arg6 : memref<32x1024xf32, #tpu.memory_space<vmem>>) target(%dma_start3A_221 : memref<32x1024xf32, #tpu.memory_space<hbm>>) target_semaphore(%arg10 : memref<!tpu.dma_semaphore, #tpu.memory_space<semaphore_mem>>)
    %dma_wait3A_222 = arith.constant 0 : i32
    %dma_wait3A_223 = tpu.memref_slice %arg4[%add3A_217, %dma_wait3A_222] : memref<16384x1024xf32, #tpu.memory_space<hbm>> -> memref<32x1024xf32, #tpu.memory_space<hbm>>
    %dma_wait3A_224 = arith.constant 0 : i32
    %dma_wait3A_225 = tpu.memref_slice %arg4[%add3A_217, %dma_wait3A_224] : memref<16384x1024xf32, #tpu.memory_space<hbm>> -> memref<32x1024xf32, #tpu.memory_space<hbm>>
    tpu.wait_dma2 semaphore(%arg10 : memref<!tpu.dma_semaphore, #tpu.memory_space<semaphore_mem>>) src(%arg6 : memref<32x1024xf32, #tpu.memory_space<vmem>>) dst(%dma_wait3A_225 : memref<32x1024xf32, #tpu.memory_space<hbm>>)
    %dma_start3A_226 = arith.constant 384 : i32
    %dma_start3A_227 = tpu.memref_slice %arg5[%dma_start3A_226] : memref<512xi32, #tpu.memory_space<vmem>> -> memref<32xi32, #tpu.memory_space<vmem>>
    %dma_start3A_228 = arith.constant 0 : i32
    %dma_start3A_229 = arith.constant 0 : i32
    %dma_start3A_230 = tpu.memref_slice %arg2[%dma_start3A_228, %dma_start3A_229] : memref<16x1024xf32, #tpu.memory_space<hbm>> -> memref<16x1024xf32, #tpu.memory_space<hbm>>
    tpu.enqueue_indirect_dma source(%dma_start3A_230 : memref<16x1024xf32, #tpu.memory_space<hbm>>) target(%arg6 : memref<32x1024xf32, #tpu.memory_space<vmem>>) offsets(%dma_start3A_227 : memref<32xi32, #tpu.memory_space<vmem>>) semaphore(%arg8 : memref<!tpu.dma_semaphore, #tpu.memory_space<semaphore_mem>>)
    %dma_wait3A_231 = arith.constant 352 : i32
    %dma_wait3A_232 = tpu.memref_slice %arg5[%dma_wait3A_231] : memref<512xi32, #tpu.memory_space<vmem>> -> memref<32xi32, #tpu.memory_space<vmem>>
    %dma_wait3A_233 = arith.constant 0 : i32
    %dma_wait3A_234 = arith.constant 0 : i32
    %dma_wait3A_235 = tpu.memref_slice %arg2[%dma_wait3A_233, %dma_wait3A_234] : memref<16x1024xf32, #tpu.memory_space<hbm>> -> memref<16x1024xf32, #tpu.memory_space<hbm>>
    tpu.wait_indirect_dma semaphore(%arg9 : memref<!tpu.dma_semaphore, #tpu.memory_space<semaphore_mem>>) src(%dma_wait3A_235 : memref<16x1024xf32, #tpu.memory_space<hbm>>) dst(%arg7 : memref<32x1024xf32, #tpu.memory_space<vmem>>)
    %add3A_236 = arith.constant 352 : i32
    %add3A_237 = arith.addi %mul3A_2, %add3A_236 : i32
    %dma_start3A_238 = arith.constant 0 : i32
    %dma_start3A_239 = tpu.memref_slice %arg4[%add3A_237, %dma_start3A_238] : memref<16384x1024xf32, #tpu.memory_space<hbm>> -> memref<32x1024xf32, #tpu.memory_space<hbm>>
    %dma_start3A_240 = arith.constant 0 : i32
    %dma_start3A_241 = tpu.memref_slice %arg4[%add3A_237, %dma_start3A_240] : memref<16384x1024xf32, #tpu.memory_space<hbm>> -> memref<32x1024xf32, #tpu.memory_space<hbm>>
    tpu.enqueue_dma source(%arg7 : memref<32x1024xf32, #tpu.memory_space<vmem>>) target(%dma_start3A_241 : memref<32x1024xf32, #tpu.memory_space<hbm>>) target_semaphore(%arg11 : memref<!tpu.dma_semaphore, #tpu.memory_space<semaphore_mem>>)
    %dma_wait3A_242 = arith.constant 0 : i32
    %dma_wait3A_243 = tpu.memref_slice %arg4[%add3A_237, %dma_wait3A_242] : memref<16384x1024xf32, #tpu.memory_space<hbm>> -> memref<32x1024xf32, #tpu.memory_space<hbm>>
    %dma_wait3A_244 = arith.constant 0 : i32
    %dma_wait3A_245 = tpu.memref_slice %arg4[%add3A_237, %dma_wait3A_244] : memref<16384x1024xf32, #tpu.memory_space<hbm>> -> memref<32x1024xf32, #tpu.memory_space<hbm>>
    tpu.wait_dma2 semaphore(%arg11 : memref<!tpu.dma_semaphore, #tpu.memory_space<semaphore_mem>>) src(%arg7 : memref<32x1024xf32, #tpu.memory_space<vmem>>) dst(%dma_wait3A_245 : memref<32x1024xf32, #tpu.memory_space<hbm>>)
    %dma_start3A_246 = arith.constant 416 : i32
    %dma_start3A_247 = tpu.memref_slice %arg5[%dma_start3A_246] : memref<512xi32, #tpu.memory_space<vmem>> -> memref<32xi32, #tpu.memory_space<vmem>>
    %dma_start3A_248 = arith.constant 0 : i32
    %dma_start3A_249 = arith.constant 0 : i32
    %dma_start3A_250 = tpu.memref_slice %arg2[%dma_start3A_248, %dma_start3A_249] : memref<16x1024xf32, #tpu.memory_space<hbm>> -> memref<16x1024xf32, #tpu.memory_space<hbm>>
    tpu.enqueue_indirect_dma source(%dma_start3A_250 : memref<16x1024xf32, #tpu.memory_space<hbm>>) target(%arg7 : memref<32x1024xf32, #tpu.memory_space<vmem>>) offsets(%dma_start3A_247 : memref<32xi32, #tpu.memory_space<vmem>>) semaphore(%arg9 : memref<!tpu.dma_semaphore, #tpu.memory_space<semaphore_mem>>)
    %dma_wait3A_251 = arith.constant 384 : i32
    %dma_wait3A_252 = tpu.memref_slice %arg5[%dma_wait3A_251] : memref<512xi32, #tpu.memory_space<vmem>> -> memref<32xi32, #tpu.memory_space<vmem>>
    %dma_wait3A_253 = arith.constant 0 : i32
    %dma_wait3A_254 = arith.constant 0 : i32
    %dma_wait3A_255 = tpu.memref_slice %arg2[%dma_wait3A_253, %dma_wait3A_254] : memref<16x1024xf32, #tpu.memory_space<hbm>> -> memref<16x1024xf32, #tpu.memory_space<hbm>>
    tpu.wait_indirect_dma semaphore(%arg8 : memref<!tpu.dma_semaphore, #tpu.memory_space<semaphore_mem>>) src(%dma_wait3A_255 : memref<16x1024xf32, #tpu.memory_space<hbm>>) dst(%arg6 : memref<32x1024xf32, #tpu.memory_space<vmem>>)
    %add3A_256 = arith.constant 384 : i32
    %add3A_257 = arith.addi %mul3A_2, %add3A_256 : i32
    %dma_start3A_258 = arith.constant 0 : i32
    %dma_start3A_259 = tpu.memref_slice %arg4[%add3A_257, %dma_start3A_258] : memref<16384x1024xf32, #tpu.memory_space<hbm>> -> memref<32x1024xf32, #tpu.memory_space<hbm>>
    %dma_start3A_260 = arith.constant 0 : i32
    %dma_start3A_261 = tpu.memref_slice %arg4[%add3A_257, %dma_start3A_260] : memref<16384x1024xf32, #tpu.memory_space<hbm>> -> memref<32x1024xf32, #tpu.memory_space<hbm>>
    tpu.enqueue_dma source(%arg6 : memref<32x1024xf32, #tpu.memory_space<vmem>>) target(%dma_start3A_261 : memref<32x1024xf32, #tpu.memory_space<hbm>>) target_semaphore(%arg10 : memref<!tpu.dma_semaphore, #tpu.memory_space<semaphore_mem>>)
    %dma_wait3A_262 = arith.constant 0 : i32
    %dma_wait3A_263 = tpu.memref_slice %arg4[%add3A_257, %dma_wait3A_262] : memref<16384x1024xf32, #tpu.memory_space<hbm>> -> memref<32x1024xf32, #tpu.memory_space<hbm>>
    %dma_wait3A_264 = arith.constant 0 : i32
    %dma_wait3A_265 = tpu.memref_slice %arg4[%add3A_257, %dma_wait3A_264] : memref<16384x1024xf32, #tpu.memory_space<hbm>> -> memref<32x1024xf32, #tpu.memory_space<hbm>>
    tpu.wait_dma2 semaphore(%arg10 : memref<!tpu.dma_semaphore, #tpu.memory_space<semaphore_mem>>) src(%arg6 : memref<32x1024xf32, #tpu.memory_space<vmem>>) dst(%dma_wait3A_265 : memref<32x1024xf32, #tpu.memory_space<hbm>>)
    %dma_start3A_266 = arith.constant 448 : i32
    %dma_start3A_267 = tpu.memref_slice %arg5[%dma_start3A_266] : memref<512xi32, #tpu.memory_space<vmem>> -> memref<32xi32, #tpu.memory_space<vmem>>
    %dma_start3A_268 = arith.constant 0 : i32
    %dma_start3A_269 = arith.constant 0 : i32
    %dma_start3A_270 = tpu.memref_slice %arg2[%dma_start3A_268, %dma_start3A_269] : memref<16x1024xf32, #tpu.memory_space<hbm>> -> memref<16x1024xf32, #tpu.memory_space<hbm>>
    tpu.enqueue_indirect_dma source(%dma_start3A_270 : memref<16x1024xf32, #tpu.memory_space<hbm>>) target(%arg6 : memref<32x1024xf32, #tpu.memory_space<vmem>>) offsets(%dma_start3A_267 : memref<32xi32, #tpu.memory_space<vmem>>) semaphore(%arg8 : memref<!tpu.dma_semaphore, #tpu.memory_space<semaphore_mem>>)
    %dma_wait3A_271 = arith.constant 416 : i32
    %dma_wait3A_272 = tpu.memref_slice %arg5[%dma_wait3A_271] : memref<512xi32, #tpu.memory_space<vmem>> -> memref<32xi32, #tpu.memory_space<vmem>>
    %dma_wait3A_273 = arith.constant 0 : i32
    %dma_wait3A_274 = arith.constant 0 : i32
    %dma_wait3A_275 = tpu.memref_slice %arg2[%dma_wait3A_273, %dma_wait3A_274] : memref<16x1024xf32, #tpu.memory_space<hbm>> -> memref<16x1024xf32, #tpu.memory_space<hbm>>
    tpu.wait_indirect_dma semaphore(%arg9 : memref<!tpu.dma_semaphore, #tpu.memory_space<semaphore_mem>>) src(%dma_wait3A_275 : memref<16x1024xf32, #tpu.memory_space<hbm>>) dst(%arg7 : memref<32x1024xf32, #tpu.memory_space<vmem>>)
    %add3A_276 = arith.constant 416 : i32
    %add3A_277 = arith.addi %mul3A_2, %add3A_276 : i32
    %dma_start3A_278 = arith.constant 0 : i32
    %dma_start3A_279 = tpu.memref_slice %arg4[%add3A_277, %dma_start3A_278] : memref<16384x1024xf32, #tpu.memory_space<hbm>> -> memref<32x1024xf32, #tpu.memory_space<hbm>>
    %dma_start3A_280 = arith.constant 0 : i32
    %dma_start3A_281 = tpu.memref_slice %arg4[%add3A_277, %dma_start3A_280] : memref<16384x1024xf32, #tpu.memory_space<hbm>> -> memref<32x1024xf32, #tpu.memory_space<hbm>>
    tpu.enqueue_dma source(%arg7 : memref<32x1024xf32, #tpu.memory_space<vmem>>) target(%dma_start3A_281 : memref<32x1024xf32, #tpu.memory_space<hbm>>) target_semaphore(%arg11 : memref<!tpu.dma_semaphore, #tpu.memory_space<semaphore_mem>>)
    %dma_wait3A_282 = arith.constant 0 : i32
    %dma_wait3A_283 = tpu.memref_slice %arg4[%add3A_277, %dma_wait3A_282] : memref<16384x1024xf32, #tpu.memory_space<hbm>> -> memref<32x1024xf32, #tpu.memory_space<hbm>>
    %dma_wait3A_284 = arith.constant 0 : i32
    %dma_wait3A_285 = tpu.memref_slice %arg4[%add3A_277, %dma_wait3A_284] : memref<16384x1024xf32, #tpu.memory_space<hbm>> -> memref<32x1024xf32, #tpu.memory_space<hbm>>
    tpu.wait_dma2 semaphore(%arg11 : memref<!tpu.dma_semaphore, #tpu.memory_space<semaphore_mem>>) src(%arg7 : memref<32x1024xf32, #tpu.memory_space<vmem>>) dst(%dma_wait3A_285 : memref<32x1024xf32, #tpu.memory_space<hbm>>)
    %dma_start3A_286 = arith.constant 480 : i32
    %dma_start3A_287 = tpu.memref_slice %arg5[%dma_start3A_286] : memref<512xi32, #tpu.memory_space<vmem>> -> memref<32xi32, #tpu.memory_space<vmem>>
    %dma_start3A_288 = arith.constant 0 : i32
    %dma_start3A_289 = arith.constant 0 : i32
    %dma_start3A_290 = tpu.memref_slice %arg2[%dma_start3A_288, %dma_start3A_289] : memref<16x1024xf32, #tpu.memory_space<hbm>> -> memref<16x1024xf32, #tpu.memory_space<hbm>>
    tpu.enqueue_indirect_dma source(%dma_start3A_290 : memref<16x1024xf32, #tpu.memory_space<hbm>>) target(%arg7 : memref<32x1024xf32, #tpu.memory_space<vmem>>) offsets(%dma_start3A_287 : memref<32xi32, #tpu.memory_space<vmem>>) semaphore(%arg9 : memref<!tpu.dma_semaphore, #tpu.memory_space<semaphore_mem>>)
    %dma_wait3A_291 = arith.constant 448 : i32
    %dma_wait3A_292 = tpu.memref_slice %arg5[%dma_wait3A_291] : memref<512xi32, #tpu.memory_space<vmem>> -> memref<32xi32, #tpu.memory_space<vmem>>
    %dma_wait3A_293 = arith.constant 0 : i32
    %dma_wait3A_294 = arith.constant 0 : i32
    %dma_wait3A_295 = tpu.memref_slice %arg2[%dma_wait3A_293, %dma_wait3A_294] : memref<16x1024xf32, #tpu.memory_space<hbm>> -> memref<16x1024xf32, #tpu.memory_space<hbm>>
    tpu.wait_indirect_dma semaphore(%arg8 : memref<!tpu.dma_semaphore, #tpu.memory_space<semaphore_mem>>) src(%dma_wait3A_295 : memref<16x1024xf32, #tpu.memory_space<hbm>>) dst(%arg6 : memref<32x1024xf32, #tpu.memory_space<vmem>>)
    %add3A_296 = arith.constant 448 : i32
    %add3A_297 = arith.addi %mul3A_2, %add3A_296 : i32
    %dma_start3A_298 = arith.constant 0 : i32
    %dma_start3A_299 = tpu.memref_slice %arg4[%add3A_297, %dma_start3A_298] : memref<16384x1024xf32, #tpu.memory_space<hbm>> -> memref<32x1024xf32, #tpu.memory_space<hbm>>
    %dma_start3A_300 = arith.constant 0 : i32
    %dma_start3A_301 = tpu.memref_slice %arg4[%add3A_297, %dma_start3A_300] : memref<16384x1024xf32, #tpu.memory_space<hbm>> -> memref<32x1024xf32, #tpu.memory_space<hbm>>
    tpu.enqueue_dma source(%arg6 : memref<32x1024xf32, #tpu.memory_space<vmem>>) target(%dma_start3A_301 : memref<32x1024xf32, #tpu.memory_space<hbm>>) target_semaphore(%arg10 : memref<!tpu.dma_semaphore, #tpu.memory_space<semaphore_mem>>)
    %dma_wait3A_302 = arith.constant 480 : i32
    %dma_wait3A_303 = tpu.memref_slice %arg5[%dma_wait3A_302] : memref<512xi32, #tpu.memory_space<vmem>> -> memref<32xi32, #tpu.memory_space<vmem>>
    %dma_wait3A_304 = arith.constant 0 : i32
    %dma_wait3A_305 = arith.constant 0 : i32
    %dma_wait3A_306 = tpu.memref_slice %arg2[%dma_wait3A_304, %dma_wait3A_305] : memref<16x1024xf32, #tpu.memory_space<hbm>> -> memref<16x1024xf32, #tpu.memory_space<hbm>>
    tpu.wait_indirect_dma semaphore(%arg9 : memref<!tpu.dma_semaphore, #tpu.memory_space<semaphore_mem>>) src(%dma_wait3A_306 : memref<16x1024xf32, #tpu.memory_space<hbm>>) dst(%arg7 : memref<32x1024xf32, #tpu.memory_space<vmem>>)
    %add3A_307 = arith.constant 480 : i32
    %add3A_308 = arith.addi %mul3A_2, %add3A_307 : i32
    %dma_start3A_309 = arith.constant 0 : i32
    %dma_start3A_310 = tpu.memref_slice %arg4[%add3A_308, %dma_start3A_309] : memref<16384x1024xf32, #tpu.memory_space<hbm>> -> memref<32x1024xf32, #tpu.memory_space<hbm>>
    %dma_start3A_311 = arith.constant 0 : i32
    %dma_start3A_312 = tpu.memref_slice %arg4[%add3A_308, %dma_start3A_311] : memref<16384x1024xf32, #tpu.memory_space<hbm>> -> memref<32x1024xf32, #tpu.memory_space<hbm>>
    tpu.enqueue_dma source(%arg7 : memref<32x1024xf32, #tpu.memory_space<vmem>>) target(%dma_start3A_312 : memref<32x1024xf32, #tpu.memory_space<hbm>>) target_semaphore(%arg11 : memref<!tpu.dma_semaphore, #tpu.memory_space<semaphore_mem>>)
    %dma_wait3A_313 = arith.constant 0 : i32
    %dma_wait3A_314 = tpu.memref_slice %arg4[%add3A_297, %dma_wait3A_313] : memref<16384x1024xf32, #tpu.memory_space<hbm>> -> memref<32x1024xf32, #tpu.memory_space<hbm>>
    %dma_wait3A_315 = arith.constant 0 : i32
    %dma_wait3A_316 = tpu.memref_slice %arg4[%add3A_297, %dma_wait3A_315] : memref<16384x1024xf32, #tpu.memory_space<hbm>> -> memref<32x1024xf32, #tpu.memory_space<hbm>>
    tpu.wait_dma2 semaphore(%arg10 : memref<!tpu.dma_semaphore, #tpu.memory_space<semaphore_mem>>) src(%arg6 : memref<32x1024xf32, #tpu.memory_space<vmem>>) dst(%dma_wait3A_316 : memref<32x1024xf32, #tpu.memory_space<hbm>>)
    %dma_wait3A_317 = arith.constant 0 : i32
    %dma_wait3A_318 = tpu.memref_slice %arg4[%add3A_308, %dma_wait3A_317] : memref<16384x1024xf32, #tpu.memory_space<hbm>> -> memref<32x1024xf32, #tpu.memory_space<hbm>>
    %dma_wait3A_319 = arith.constant 0 : i32
    %dma_wait3A_320 = tpu.memref_slice %arg4[%add3A_308, %dma_wait3A_319] : memref<16384x1024xf32, #tpu.memory_space<hbm>> -> memref<32x1024xf32, #tpu.memory_space<hbm>>
    tpu.wait_dma2 semaphore(%arg11 : memref<!tpu.dma_semaphore, #tpu.memory_space<semaphore_mem>>) src(%arg7 : memref<32x1024xf32, #tpu.memory_space<vmem>>) dst(%dma_wait3A_320 : memref<32x1024xf32, #tpu.memory_space<hbm>>)
    return
  }
}

module attributes {stable_mosaic.version = 14 : i64} {
  func.func @_router_kernel(%arg0: i32, %arg1: memref<1024x1024xf32, #tpu.memory_space<vmem>>, %arg2: memref<1024x1024xf32, #tpu.memory_space<vmem>>, %arg3: memref<1x1024xf32, #tpu.memory_space<vmem>>, %arg4: memref<1024x1024xf32, #tpu.memory_space<vmem>>, %arg5: memref<1x1024xf32, #tpu.memory_space<vmem>>, %arg6: memref<16x1024xf32, #tpu.memory_space<vmem>>, %arg7: memref<1024x2xi32, #tpu.memory_space<vmem>>, %arg8: memref<1024x2xf32, #tpu.memory_space<vmem>>, %arg9: memref<1x16xf32, #tpu.memory_space<vmem>>, %arg10: memref<1x1xf32, #tpu.memory_space<vmem>>, %arg11: memref<1x16xf32, #tpu.memory_space<vmem>>) attributes {dimension_semantics = [#tpu.dimension_semantics<arbitrary>], iteration_bounds = array<i64: 8>, scalar_prefetch = 0 : i64, scratch_operands = 1 : i64, tpu.core_type = #tpu.core_type<tc>, window_params = [{transform_indices = @transform_0, window_bounds = array<i64: 1024, 1024>}, {pipeline_mode = #tpu.pipeline_mode<synchronous>, transform_indices = @transform_1, window_bounds = array<i64: 1024, 1024>}, {pipeline_mode = #tpu.pipeline_mode<synchronous>, transform_indices = @transform_2, window_bounds = array<i64: 1, 1024>}, {pipeline_mode = #tpu.pipeline_mode<synchronous>, transform_indices = @transform_3, window_bounds = array<i64: 1024, 1024>}, {pipeline_mode = #tpu.pipeline_mode<synchronous>, transform_indices = @transform_4, window_bounds = array<i64: 1, 1024>}, {pipeline_mode = #tpu.pipeline_mode<synchronous>, transform_indices = @transform_5, window_bounds = array<i64: 16, 1024>}, {transform_indices = @transform_6, window_bounds = array<i64: 1024, 2>}, {transform_indices = @transform_7, window_bounds = array<i64: 1024, 2>}, {pipeline_mode = #tpu.pipeline_mode<synchronous>, transform_indices = @transform_8, window_bounds = array<i64: 1, 16>}, {pipeline_mode = #tpu.pipeline_mode<synchronous>, transform_indices = @transform_9, window_bounds = array<i64: 1, 1>}]} {
    %get3A = arith.constant 0 : index
    %get3A_0 = arith.constant 0 : index
    %get3A_1 = vector.load %arg1[%get3A, %get3A_0] : memref<1024x1024xf32, #tpu.memory_space<vmem>>, vector<1024x1024xf32>
    %get3A_2 = arith.constant 0 : index
    %get3A_3 = arith.constant 0 : index
    %get3A_4 = vector.load %arg2[%get3A_2, %get3A_3] : memref<1024x1024xf32, #tpu.memory_space<vmem>>, vector<1024x1024xf32>
    %dot_general3A = arith.constant dense<0.000000e+00> : vector<1024x1024xf32>
    %dot_general3A_5 = tpu.matmul %get3A_1, %get3A_4, %dot_general3A {dimension_numbers = #tpu.dot_dimension_numbers<[1], [1], [0], [0], [0, 0, 1, 0], [], []>, transpose_lhs_hint = false} : vector<1024x1024xf32>, vector<1024x1024xf32>, vector<1024x1024xf32> -> vector<1024x1024xf32>
    %get3A_6 = arith.constant 0 : index
    %get3A_7 = arith.constant 0 : index
    %get3A_8 = vector.load %arg3[%get3A_6, %get3A_7] : memref<1x1024xf32, #tpu.memory_space<vmem>>, vector<1x1024xf32>
    %add3A = vector.broadcast %get3A_8 : vector<1x1024xf32> to vector<1024x1024xf32>
    %add3A_9 = arith.addf %dot_general3A_5, %add3A : vector<1024x1024xf32>
    %max3A = arith.constant 0.000000e+00 : f32
    %max3A_10 = vector.broadcast %max3A : f32 to vector<1024x1024xf32>
    %max3A_11 = arith.maximumf %add3A_9, %max3A_10 : vector<1024x1024xf32>
    %get3A_12 = arith.constant 0 : index
    %get3A_13 = arith.constant 0 : index
    %get3A_14 = vector.load %arg4[%get3A_12, %get3A_13] : memref<1024x1024xf32, #tpu.memory_space<vmem>>, vector<1024x1024xf32>
    %dot_general3A_15 = arith.constant dense<0.000000e+00> : vector<1024x1024xf32>
    %dot_general3A_16 = tpu.matmul %max3A_11, %get3A_14, %dot_general3A_15 {dimension_numbers = #tpu.dot_dimension_numbers<[1], [1], [0], [0], [0, 0, 1, 0], [], []>, transpose_lhs_hint = false} : vector<1024x1024xf32>, vector<1024x1024xf32>, vector<1024x1024xf32> -> vector<1024x1024xf32>
    %get3A_17 = arith.constant 0 : index
    %get3A_18 = arith.constant 0 : index
    %get3A_19 = vector.load %arg5[%get3A_17, %get3A_18] : memref<1x1024xf32, #tpu.memory_space<vmem>>, vector<1x1024xf32>
    %add3A_20 = vector.broadcast %get3A_19 : vector<1x1024xf32> to vector<1024x1024xf32>
    %add3A_21 = arith.addf %dot_general3A_16, %add3A_20 : vector<1024x1024xf32>
    %get3A_22 = arith.constant 0 : index
    %get3A_23 = arith.constant 0 : index
    %get3A_24 = vector.load %arg6[%get3A_22, %get3A_23] : memref<16x1024xf32, #tpu.memory_space<vmem>>, vector<16x1024xf32>
    %dot_general3A_25 = arith.constant dense<0.000000e+00> : vector<1024x16xf32>
    %dot_general3A_26 = tpu.matmul %add3A_21, %get3A_24, %dot_general3A_25 {dimension_numbers = #tpu.dot_dimension_numbers<[1], [1], [0], [0], [0, 0, 1, 0], [], []>, transpose_lhs_hint = false} : vector<1024x1024xf32>, vector<16x1024xf32>, vector<1024x16xf32> -> vector<1024x16xf32>
    %reduce_max3A = arith.constant dense<0xFF800000> : vector<1024xf32>
    %reduce_max3A_27 = vector.multi_reduction <maximumf>, %dot_general3A_26, %reduce_max3A [1] : vector<1024x16xf32> to vector<1024xf32>
    %broadcast_in_dim3A = vector.shape_cast %reduce_max3A_27 : vector<1024xf32> to vector<1024x1xf32>
    %sub3A = vector.broadcast %broadcast_in_dim3A : vector<1024x1xf32> to vector<1024x16xf32>
    %sub3A_28 = arith.subf %dot_general3A_26, %sub3A : vector<1024x16xf32>
    %exp3A = math.exp %sub3A_28 : vector<1024x16xf32>
    %reduce_sum3A = arith.constant dense<0.000000e+00> : vector<1024xf32>
    %reduce_sum3A_29 = vector.multi_reduction <add>, %exp3A, %reduce_sum3A [1] : vector<1024x16xf32> to vector<1024xf32>
    %broadcast_in_dim3A_30 = vector.shape_cast %reduce_sum3A_29 : vector<1024xf32> to vector<1024x1xf32>
    %div3A = vector.broadcast %broadcast_in_dim3A_30 : vector<1024x1xf32> to vector<1024x16xf32>
    %div3A_31 = arith.divf %exp3A, %div3A : vector<1024x16xf32>
    %iota3A = tpu.iota {dimensions = array<i32: 1>} : vector<1024x16xi32>
    %eq3A = vector.broadcast %broadcast_in_dim3A : vector<1024x1xf32> to vector<1024x16xf32>
    %eq3A_32 = arith.cmpf oeq, %dot_general3A_26, %eq3A : vector<1024x16xf32>
    %jit3A = arith.constant 16 : i32
    %broadcast_in_dim3A_33 = vector.broadcast %jit3A : i32 to vector<1024x16xi32>
    %select_n3A = arith.select %eq3A_32, %iota3A, %broadcast_in_dim3A_33 : vector<1024x16xi1>, vector<1024x16xi32>
    %reduce_min3A = arith.constant dense<2147483647> : vector<1024xi32>
    %reduce_min3A_34 = vector.multi_reduction <minsi>, %select_n3A, %reduce_min3A [1] : vector<1024x16xi32> to vector<1024xi32>
    %broadcast_in_dim3A_35 = vector.shape_cast %reduce_min3A_34 : vector<1024xi32> to vector<1024x1xi32>
    %eq3A_36 = vector.broadcast %broadcast_in_dim3A_35 : vector<1024x1xi32> to vector<1024x16xi32>
    %eq3A_37 = arith.cmpi eq, %iota3A, %eq3A_36 : vector<1024x16xi32>
    %jit3A_38 = arith.constant 0xFF800000 : f32
    %broadcast_in_dim3A_39 = vector.broadcast %jit3A_38 : f32 to vector<1024x16xf32>
    %select_n3A_40 = arith.select %eq3A_37, %broadcast_in_dim3A_39, %dot_general3A_26 : vector<1024x16xi1>, vector<1024x16xf32>
    %reduce_max3A_41 = arith.constant dense<0xFF800000> : vector<1024xf32>
    %reduce_max3A_42 = vector.multi_reduction <maximumf>, %select_n3A_40, %reduce_max3A_41 [1] : vector<1024x16xf32> to vector<1024xf32>
    %broadcast_in_dim3A_43 = vector.shape_cast %reduce_max3A_42 : vector<1024xf32> to vector<1024x1xf32>
    %eq3A_44 = vector.broadcast %broadcast_in_dim3A_43 : vector<1024x1xf32> to vector<1024x16xf32>
    %eq3A_45 = arith.cmpf oeq, %select_n3A_40, %eq3A_44 : vector<1024x16xf32>
    %jit3A_46 = arith.constant 16 : i32
    %broadcast_in_dim3A_47 = vector.broadcast %jit3A_46 : i32 to vector<1024x16xi32>
    %select_n3A_48 = arith.select %eq3A_45, %iota3A, %broadcast_in_dim3A_47 : vector<1024x16xi1>, vector<1024x16xi32>
    %reduce_min3A_49 = arith.constant dense<2147483647> : vector<1024xi32>
    %reduce_min3A_50 = vector.multi_reduction <minsi>, %select_n3A_48, %reduce_min3A_49 [1] : vector<1024x16xi32> to vector<1024xi32>
    %broadcast_in_dim3A_51 = vector.shape_cast %reduce_min3A_50 : vector<1024xi32> to vector<1024x1xi32>
    %eq3A_52 = vector.broadcast %broadcast_in_dim3A_35 : vector<1024x1xi32> to vector<1024x16xi32>
    %eq3A_53 = arith.cmpi eq, %iota3A, %eq3A_52 : vector<1024x16xi32>
    %convert_element_type3A = arith.extui %eq3A_53 : vector<1024x16xi1> to vector<1024x16xi32>
    %convert_element_type3A_54 = arith.sitofp %convert_element_type3A : vector<1024x16xi32> to vector<1024x16xf32>
    %eq3A_55 = vector.broadcast %broadcast_in_dim3A_51 : vector<1024x1xi32> to vector<1024x16xi32>
    %eq3A_56 = arith.cmpi eq, %iota3A, %eq3A_55 : vector<1024x16xi32>
    %convert_element_type3A_57 = arith.extui %eq3A_56 : vector<1024x16xi1> to vector<1024x16xi32>
    %convert_element_type3A_58 = arith.sitofp %convert_element_type3A_57 : vector<1024x16xi32> to vector<1024x16xf32>
    %mul3A = arith.mulf %div3A_31, %convert_element_type3A_54 : vector<1024x16xf32>
    %reduce_sum3A_59 = arith.constant dense<0.000000e+00> : vector<1024xf32>
    %reduce_sum3A_60 = vector.multi_reduction <add>, %mul3A, %reduce_sum3A_59 [1] : vector<1024x16xf32> to vector<1024xf32>
    %broadcast_in_dim3A_61 = vector.shape_cast %reduce_sum3A_60 : vector<1024xf32> to vector<1024x1xf32>
    %mul3A_62 = arith.mulf %div3A_31, %convert_element_type3A_58 : vector<1024x16xf32>
    %reduce_sum3A_63 = arith.constant dense<0.000000e+00> : vector<1024xf32>
    %reduce_sum3A_64 = vector.multi_reduction <add>, %mul3A_62, %reduce_sum3A_63 [1] : vector<1024x16xf32> to vector<1024xf32>
    %broadcast_in_dim3A_65 = vector.shape_cast %reduce_sum3A_64 : vector<1024xf32> to vector<1024x1xf32>
    %add3A_66 = arith.addf %broadcast_in_dim3A_61, %broadcast_in_dim3A_65 : vector<1024x1xf32>
    %concatenate3A = tpu.concatenate %broadcast_in_dim3A_35, %broadcast_in_dim3A_51 in 1 : vector<1024x1xi32>, vector<1024x1xi32> -> vector<1024x2xi32>
    %swap3A = arith.constant 0 : index
    %swap3A_67 = arith.constant 0 : index
    %swap3A_68 = vector.load %arg7[%swap3A, %swap3A_67] : memref<1024x2xi32, #tpu.memory_space<vmem>>, vector<1024x2xi32>
    tpu.vector_store %arg7[%swap3A, %swap3A_67], %concatenate3A {strides = array<i32>} : memref<1024x2xi32, #tpu.memory_space<vmem>>, vector<1024x2xi32>,
    %div3A_69 = arith.divf %broadcast_in_dim3A_61, %add3A_66 : vector<1024x1xf32>
    %div3A_70 = arith.divf %broadcast_in_dim3A_65, %add3A_66 : vector<1024x1xf32>
    %concatenate3A_71 = tpu.concatenate %div3A_69, %div3A_70 in 1 : vector<1024x1xf32>, vector<1024x1xf32> -> vector<1024x2xf32>
    %swap3A_72 = arith.constant 0 : index
    %swap3A_73 = arith.constant 0 : index
    %swap3A_74 = vector.load %arg8[%swap3A_72, %swap3A_73] : memref<1024x2xf32, #tpu.memory_space<vmem>>, vector<1024x2xf32>
    tpu.vector_store %arg8[%swap3A_72, %swap3A_73], %concatenate3A_71 {strides = array<i32>} : memref<1024x2xf32, #tpu.memory_space<vmem>>, vector<1024x2xf32>,
    %add3A_75 = arith.addf %convert_element_type3A_54, %convert_element_type3A_58 : vector<1024x16xf32>
    %reduce_sum3A_76 = arith.constant dense<0.000000e+00> : vector<16xf32>
    %reduce_sum3A_77 = vector.multi_reduction <add>, %add3A_75, %reduce_sum3A_76 [0] : vector<1024x16xf32> to vector<16xf32>
    %broadcast_in_dim3A_78 = vector.shape_cast %reduce_sum3A_77 : vector<16xf32> to vector<1x16xf32>
    %reduce_sum3A_79 = arith.constant dense<0.000000e+00> : vector<16xf32>
    %reduce_sum3A_80 = vector.multi_reduction <add>, %div3A_31, %reduce_sum3A_79 [0] : vector<1024x16xf32> to vector<16xf32>
    %broadcast_in_dim3A_81 = vector.shape_cast %reduce_sum3A_80 : vector<16xf32> to vector<1x16xf32>
    %eq3A_82 = arith.constant 0 : i32
    %eq3A_83 = arith.cmpi eq, %arg0, %eq3A_82 : i32
    %convert_element_type3A_84 = arith.extui %eq3A_83 : i1 to i32
    %cond3A = arith.constant 0 : i32
    %cond3A_85 = arith.cmpi ne, %convert_element_type3A_84, %cond3A : i32
    scf.if %cond3A_85 {
      %swap3A_95 = arith.constant 0 : index
      %swap3A_96 = arith.constant 0 : index
      %swap3A_97 = vector.load %arg9[%swap3A_95, %swap3A_96] : memref<1x16xf32, #tpu.memory_space<vmem>>, vector<1x16xf32>
      tpu.vector_store %arg9[%swap3A_95, %swap3A_96], %broadcast_in_dim3A_78 {strides = array<i32>} : memref<1x16xf32, #tpu.memory_space<vmem>>, vector<1x16xf32>,
      %swap3A_98 = arith.constant 0 : index
      %swap3A_99 = arith.constant 0 : index
      %swap3A_100 = vector.load %arg11[%swap3A_98, %swap3A_99] : memref<1x16xf32, #tpu.memory_space<vmem>>, vector<1x16xf32>
      tpu.vector_store %arg11[%swap3A_98, %swap3A_99], %broadcast_in_dim3A_81 {strides = array<i32>} : memref<1x16xf32, #tpu.memory_space<vmem>>, vector<1x16xf32>,
    } else {
    }
    %ne3A = arith.constant 0 : i32
    %ne3A_86 = arith.cmpi ne, %arg0, %ne3A : i32
    %convert_element_type3A_87 = arith.extui %ne3A_86 : i1 to i32
    %cond3A_88 = arith.constant 0 : i32
    %cond3A_89 = arith.cmpi ne, %convert_element_type3A_87, %cond3A_88 : i32
    scf.if %cond3A_89 {
      %get3A_95 = arith.constant 0 : index
      %get3A_96 = arith.constant 0 : index
      %get3A_97 = vector.load %arg9[%get3A_95, %get3A_96] : memref<1x16xf32, #tpu.memory_space<vmem>>, vector<1x16xf32>
      %add3A_98 = arith.addf %get3A_97, %broadcast_in_dim3A_78 : vector<1x16xf32>
      %swap3A_99 = arith.constant 0 : index
      %swap3A_100 = arith.constant 0 : index
      %swap3A_101 = vector.load %arg9[%swap3A_99, %swap3A_100] : memref<1x16xf32, #tpu.memory_space<vmem>>, vector<1x16xf32>
      tpu.vector_store %arg9[%swap3A_99, %swap3A_100], %add3A_98 {strides = array<i32>} : memref<1x16xf32, #tpu.memory_space<vmem>>, vector<1x16xf32>,
      %get3A_102 = arith.constant 0 : index
      %get3A_103 = arith.constant 0 : index
      %get3A_104 = vector.load %arg11[%get3A_102, %get3A_103] : memref<1x16xf32, #tpu.memory_space<vmem>>, vector<1x16xf32>
      %add3A_105 = arith.addf %get3A_104, %broadcast_in_dim3A_81 : vector<1x16xf32>
      %swap3A_106 = arith.constant 0 : index
      %swap3A_107 = arith.constant 0 : index
      %swap3A_108 = vector.load %arg11[%swap3A_106, %swap3A_107] : memref<1x16xf32, #tpu.memory_space<vmem>>, vector<1x16xf32>
      tpu.vector_store %arg11[%swap3A_106, %swap3A_107], %add3A_105 {strides = array<i32>} : memref<1x16xf32, #tpu.memory_space<vmem>>, vector<1x16xf32>,
    } else {
    }
    %eq3A_90 = arith.constant 7 : i32
    %eq3A_91 = arith.cmpi eq, %arg0, %eq3A_90 : i32
    %convert_element_type3A_92 = arith.extui %eq3A_91 : i1 to i32
    %cond3A_93 = arith.constant 0 : i32
    %cond3A_94 = arith.cmpi ne, %convert_element_type3A_92, %cond3A_93 : i32
    scf.if %cond3A_94 {
      %get3A_95 = arith.constant 0 : index
      %get3A_96 = arith.constant 0 : index
      %get3A_97 = vector.load %arg9[%get3A_95, %get3A_96] : memref<1x16xf32, #tpu.memory_space<vmem>>, vector<1x16xf32>
      %div3A_98 = arith.constant 8.192000e+03 : f32
      %div3A_99 = vector.broadcast %div3A_98 : f32 to vector<1x16xf32>
      %div3A_100 = arith.divf %get3A_97, %div3A_99 : vector<1x16xf32>
      %get3A_101 = arith.constant 0 : index
      %get3A_102 = arith.constant 0 : index
      %get3A_103 = vector.load %arg11[%get3A_101, %get3A_102] : memref<1x16xf32, #tpu.memory_space<vmem>>, vector<1x16xf32>
      %div3A_104 = arith.constant 8.192000e+03 : f32
      %div3A_105 = vector.broadcast %div3A_104 : f32 to vector<1x16xf32>
      %div3A_106 = arith.divf %get3A_103, %div3A_105 : vector<1x16xf32>
      %mul3A_107 = arith.mulf %div3A_100, %div3A_106 : vector<1x16xf32>
      %reduce_sum3A_108 = vector.shape_cast %mul3A_107 : vector<1x16xf32> to vector<1x1x16xf32>
      %reduce_sum3A_109 = arith.constant dense<0.000000e+00> : vector<1xf32>
      %reduce_sum3A_110 = vector.multi_reduction <add>, %reduce_sum3A_108, %reduce_sum3A_109 [1, 2] : vector<1x1x16xf32> to vector<1xf32>
      %reduce_sum3A_111 = vector.shape_cast %reduce_sum3A_110 : vector<1xf32> to vector<1x1x1xf32>
      %reduce_sum3A_112 = vector.extract %reduce_sum3A_111[0, 0, 0] : f32 from vector<1x1x1xf32>
      %reshape3A = vector.broadcast %reduce_sum3A_112 : f32 to vector<1x1xf32>
      %mul3A_113 = arith.constant 1.600000e-01 : f32
      %mul3A_114 = vector.broadcast %mul3A_113 : f32 to vector<1x1xf32>
      %mul3A_115 = arith.mulf %reshape3A, %mul3A_114 : vector<1x1xf32>
      %swap3A_116 = arith.constant 0 : index
      %swap3A_117 = arith.constant 0 : index
      %swap3A_118 = vector.load %arg10[%swap3A_116, %swap3A_117] : memref<1x1xf32, #tpu.memory_space<vmem>>, vector<1x1xf32>
      tpu.vector_store %arg10[%swap3A_116, %swap3A_117], %mul3A_115 {strides = array<i32>} : memref<1x1xf32, #tpu.memory_space<vmem>>, vector<1x1xf32>,
    } else {
    }
    return
  }
  func.func @transform_0(%arg0: i32) -> (i32, i32) {
    %c0_i32 = arith.constant 0 : i32
    %c0_i32_0 = arith.constant 0 : i32
    return %arg0, %c0_i32 : i32, i32
  }
  func.func @transform_1(%arg0: i32) -> (i32, i32) {
    %c0_i32 = arith.constant 0 : i32
    %c0_i32_0 = arith.constant 0 : i32
    %c0_i32_1 = arith.constant 0 : i32
    return %c0_i32, %c0_i32_0 : i32, i32
  }
  func.func @transform_2(%arg0: i32) -> (i32, i32) {
    %c0_i32 = arith.constant 0 : i32
    %c0_i32_0 = arith.constant 0 : i32
    %c0_i32_1 = arith.constant 0 : i32
    return %c0_i32, %c0_i32_0 : i32, i32
  }
  func.func @transform_3(%arg0: i32) -> (i32, i32) {
    %c0_i32 = arith.constant 0 : i32
    %c0_i32_0 = arith.constant 0 : i32
    %c0_i32_1 = arith.constant 0 : i32
    return %c0_i32, %c0_i32_0 : i32, i32
  }
  func.func @transform_4(%arg0: i32) -> (i32, i32) {
    %c0_i32 = arith.constant 0 : i32
    %c0_i32_0 = arith.constant 0 : i32
    %c0_i32_1 = arith.constant 0 : i32
    return %c0_i32, %c0_i32_0 : i32, i32
  }
  func.func @transform_5(%arg0: i32) -> (i32, i32) {
    %c0_i32 = arith.constant 0 : i32
    %c0_i32_0 = arith.constant 0 : i32
    %c0_i32_1 = arith.constant 0 : i32
    return %c0_i32, %c0_i32_0 : i32, i32
  }
  func.func @transform_6(%arg0: i32) -> (i32, i32) {
    %c0_i32 = arith.constant 0 : i32
    %c0_i32_0 = arith.constant 0 : i32
    return %arg0, %c0_i32 : i32, i32
  }
  func.func @transform_7(%arg0: i32) -> (i32, i32) {
    %c0_i32 = arith.constant 0 : i32
    %c0_i32_0 = arith.constant 0 : i32
    return %arg0, %c0_i32 : i32, i32
  }
  func.func @transform_8(%arg0: i32) -> (i32, i32) {
    %c0_i32 = arith.constant 0 : i32
    %c0_i32_0 = arith.constant 0 : i32
    %c0_i32_1 = arith.constant 0 : i32
    return %c0_i32, %c0_i32_0 : i32, i32
  }
  func.func @transform_9(%arg0: i32) -> (i32, i32) {
    %c0_i32 = arith.constant 0 : i32
    %c0_i32_0 = arith.constant 0 : i32
    %c0_i32_1 = arith.constant 0 : i32
    return %c0_i32, %c0_i32_0 : i32, i32
  }
}

</mosaic_0001>

<sc_bundles>
// kernel: kernel.4.cloned.1.call-start
scs
__scs_entry_jumppad:
0x0: {  	(pc) =	sbr.rel $0x88, $3  }
0x1: {  	(tag) =	ssettag $0x0;
	lr =	simm.s32 $0x1  }
0x2: {  	[smem:$0x3F9B] =	sst lr;
	_ =	strace $0xD0000000  }
0x3: {  	_ = 	snop  }
0x4: {  	_ = 	snop  }
0x5: {  	_ = 	snop  }
0x6: {  	_ = 	snop  }
0x7: {  	_ = 	snop  }
__scs_overlays_trampoline_lowered:
0x8: {  	[smem:$0x3FAA] =	sst s0  }
0x9: {  	[smem:$0x3FAB] =	sst s1  }
0xa: {  	[smem:$0x3FAC] =	sst s2  }
0xb: {  	[smem:$0x3FAD] =	sst s3  }
0xc: {  	[smem:$0x3FAE] =	sst s4  }
0xd: {  	[smem:$0x3FAF] =	sst s5  }
0xe: {  	[smem:$0x3FB0] =	sst s6  }
0xf: {  	[smem:$0x3FB1] =	sst s7  }
0x10: {  	[smem:$0x3FB2] =	sst s8  }
0x11: {  	[smem:$0x3FB3] =	sst s9;
	s0 =	simm.s32 @!p0 $0x0  }
0x12: {  	s1 =	sld [smem:$0x3F99];
	s0 =	simm.s32 @p0 $0x1  }
0x13: {  	[smem:$0x3FB4] =	sst s0;
	s0 =	simm.s32 @!p1 $0x0  }
0x14: {  	s2 =	sld [smem:$0x3F98];
	s0 =	simm.s32 @p1 $0x1  }
0x15: {  	[smem:$0x3FB5] =	sst s0;
	s0 =	simm.s32 @!p2 $0x0  }
0x16: {  	s3 =	sld [smem:$0x3FDB];
	s0 =	simm.s32 @p2 $0x1  }
0x17: {  	s4 =	simm.s32 $0x1BF5;
	[smem:$0x3FB7] =	sst s0  }
0x18: {  	s0 =	sld [smem:$0x3F9A];
	_ =	swait.ge [sflag:s4], $0x0  }
0x19: {  	s7 =	sld [smem:$0x3F9B]  }
0x1a: {  	s8 =	sadd.s32 $0xFFFFE003, lr  }
0x1b: {  	s9 =	sadd.s32 $0xFFFFFEF7, lr;
	s5 =	simm.s32 $0xFFFFFFFF;
	p2 =	slt.u32 s8, $0xFFFFF086  }
0x1c: {  	p1 =	slt.u32 s9, $0xF7A;
	s5 =	simm.s32 @!p2 $0x0  }
0x1d: {  	s5 =	simm.s32 @p1 $0x1;
	p0 =	seq.s32 s7, s2  }
0x1e: {  	s7 =	smul.u32 @!p0 $0xF7A, s2;
	p2 =	seq.s32 @!p0 s5, $0x0  }
0x1f: {  	s9 =	smul.u32 $0xF7A, s1;
	s8 =	simm.s32 @!p0 $0x1BF5;
	p2 =	por !p2, p0  }
0x20: {  	[sflag:s8] =	ssyncset.s32 @!p0 $0xFFFFF086;
	s6 =	sadd.s32 @!p0 s3, s7;
	s7 =	simm.s32 @!p0 $0x108  }
0x21: {  	s3 =	sadd.s32 s3, s9;
	s6 =	sadd.s32 @!p0 $0x88, s6;
	s7 =	simm.s32 @p2 $0x1082  }
0x22: {  	[simem:s7], [sflag:s8] =	dma.local @!p0 [hbm:s6], $0xF7A  }
0x23: {  	s9 =	sor.u32 $0xD0000000, s2;
	s6 =	simm.s32 $0x108;
	_ =	swait.ge @!p0 [sflag:s8], $0x0  }
0x24: {  	s3 =	sadd.s32 $0x88, s3;
	s6 =	simm.s32 @!p1 $0x1082;
	[sflag:s4] =	ssyncset.s32 $0xFFFFF086  }
0x25: {  	[simem:s6], [sflag:s4] =	dma.local [hbm:s3], $0xF7A  }
0x26: {  	[smem:$0x3F9B] =	sst s1;
	(tag) =	ssettag s2;
	_ =	strace s9  }
0x27: {  	s1 =	sld [smem:$0x3FAB]  }
0x28: {  	s2 =	sld [smem:$0x3FAC]  }
0x29: {  	s4 =	sld [smem:$0x3FAE]  }
0x2a: {  	p0 =	seq.s32 s5, $0x0;
	s5 =	sld [smem:$0x3FAF]  }
0x2b: {  	s6 =	sld [smem:$0x3FB0]  }
0x2c: {  	s7 =	sld [smem:$0x3FB1]  }
0x2d: {  	s3 =	simm.s32 $0x108;
	s8 =	sld [smem:$0x3FB2]  }
0x2e: {  	s3 =	simm.s32 @!p0 $0x1082;
	s9 =	sld [smem:$0x3FB3]  }
0x2f: {  	lr =	sadd.s32 s0, s3;
	s0 =	sld [smem:$0x3FAA]  }
0x30: {  	s3 =	sld [smem:$0x3FAD]  }
0x31: {  	[smem:$0x3FB6] =	sst s10  }
0x32: {  	s10 =	sld [smem:$0x3FB4];
	_ =	sdelay $0x3  }
0x33: {  	p0 =	seq.s32 s10, $0x1;
	s10 =	sld [smem:$0x3FB6];
	_ =	sdelay $0x3  }
0x34: {  	[smem:$0x3FB6] =	sst s10  }
0x35: {  	s10 =	sld [smem:$0x3FB5];
	_ =	sdelay $0x3  }
0x36: {  	p1 =	seq.s32 s10, $0x1;
	s10 =	sld [smem:$0x3FB6];
	_ =	sdelay $0x3  }
0x37: {  	[smem:$0x3FB6] =	sst s10  }
0x38: {  	s10 =	sld [smem:$0x3FB7]  }
0x39: {  	_ = 	snop;
	(pc) =	sbr.ind lr, $3  }
0x3a: {  	_ = 	snop  }
0x3b: {  	_ = 	snop  }
0x3c: {  	p2 =	seq.s32 s10, $0x1;
	s10 =	sld [smem:$0x3FB6]  }
0x3d: {  	_ =	shalt  }
0x3e: {  	_ =	shalt  }
0x3f: {  	_ =	shalt  }
0x40: {  	_ =	shalt  }
0x41: {  	_ =	shalt  }
0x42: {  	_ =	shalt  }
0x43: {  	_ =	shalt  }
0x44: {  	_ =	shalt  }
0x45: {  	_ =	shalt  }
0x46: {  	_ =	shalt  }
0x47: {  	_ =	shalt  }
0x48: {  	_ =	shalt  }
0x49: {  	_ =	shalt  }
0x4a: {  	_ =	shalt  }
0x4b: {  	_ =	shalt  }
0x4c: {  	_ =	shalt  }
0x4d: {  	_ =	shalt  }
0x4e: {  	_ =	shalt  }
0x4f: {  	_ =	shalt  }
0x50: {  	_ =	shalt  }
0x51: {  	_ =	shalt  }
0x52: {  	_ =	shalt  }
0x53: {  	_ =	shalt  }
0x54: {  	_ =	shalt  }
0x55: {  	_ =	shalt  }
0x56: {  	_ =	shalt  }
0x57: {  	_ =	shalt  }
0x58: {  	_ =	shalt  }
0x59: {  	_ =	shalt  }
0x5a: {  	_ =	shalt  }
0x5b: {  	_ =	shalt  }
0x5c: {  	_ =	shalt  }
0x5d: {  	_ =	shalt  }
0x5e: {  	_ =	shalt  }
0x5f: {  	_ =	shalt  }
0x60: {  	_ =	shalt  }
0x61: {  	_ =	shalt  }
0x62: {  	_ =	shalt  }
0x63: {  	_ =	shalt  }
0x64: {  	_ =	shalt  }
0x65: {  	_ =	shalt  }
0x66: {  	_ =	shalt  }
0x67: {  	_ =	shalt  }
0x68: {  	_ =	shalt  }
0x69: {  	_ =	shalt  }
0x6a: {  	_ =	shalt  }
0x6b: {  	_ =	shalt  }
0x6c: {  	_ =	shalt  }
0x6d: {  	_ =	shalt  }
0x6e: {  	_ =	shalt  }
0x6f: {  	_ =	shalt  }
0x70: {  	_ =	shalt  }
0x71: {  	_ =	shalt  }
0x72: {  	_ =	shalt  }
0x73: {  	_ =	shalt  }
0x74: {  	_ =	shalt  }
0x75: {  	_ =	shalt  }
0x76: {  	_ =	shalt  }
0x77: {  	_ =	shalt  }
0x78: {  	_ =	shalt  }
0x79: {  	_ =	shalt  }
0x7a: {  	_ =	shalt  }
0x7b: {  	_ =	shalt  }
0x7c: {  	_ =	shalt  }
0x7d: {  	_ =	shalt  }
0x7e: {  	_ =	shalt  }
0x7f: {  	_ =	shalt  }
0x80: {  	_ =	shalt  }
0x81: {  	_ =	shalt  }
0x82: {  	_ =	shalt  }
0x83: {  	_ =	shalt  }
0x84: {  	_ =	shalt  }
0x85: {  	_ =	shalt  }
0x86: {  	_ =	shalt  }
0x87: {  	_ =	shalt  }
.Lfunc_end0:
.L_simem_size_0:
called_computation_lowered:
.L_overlay_start_0:
0x88: {  	s2 =	sld [smem:$0x3FD9]  }
0x89: {  	s3 =	sld [smem:$0x3FFE];
	_ =	sdelay $0x1  }
0x8a: {  	s1 =	srdreg.scid  }
0x8b: {  	s0 =	sand.u32 $0x1, s1  }
0x8c: {  	s14 =	sshll.u32 s0, $0xA;
	s2 =	sadd.s32 s3, s2  }
0x8d: {  	s2 =	sadd.s32 s2, s14  }
0x8e: {  	[smem:$0x3FC2] =	sst s2  }
0x8f: {  	_ = 	snop  }
0x90: {  	s2 =	sld [smem:$0x3FD0];
	_ =	sdelay $0x2  }
0x91: {  	s4 =	simm.s32 $0xA;
	s5 =	simm.s32 $0x10;
	s15 =	sld [smem:$0x3FC4]  }
0x92: {  	[smem:s5], [sflag:s4] =	dma.local [hbm:s2], $0x1  }
0x93: {  	_ =	swait.eq [sflag:s4], $0x1  }
0x94: {  	[sflag:s4] =	ssyncset.done $0x0  }
0x95: {  	[sflag:s4] =	ssyncadd.s32 $0xFFFFFFFF  }
0x96: {  	s16 =	sld [smem:$0x15];
	(tm) =	ssettm $0x1  }
0x97: {  	s17 =	sld [smem:$0x3FFB];
	_ =	sdelay $0x3  }
0x98: {  	_ =	strace s17  }
0x99: {  	s4 =	sld [smem:$0x3FFC];
	_ =	sdelay $0x3  }
0x9a: {  	_ =	strace s4  }
0x9b: {  	s4 =	sld [smem:$0x3FFD];
	_ =	sdelay $0x3  }
0x9c: {  	_ =	strace s4  }
0x9d: {  	_ =	strace $0x8FFFFFFF  }
0x9e: {  	s18 =	sld [smem:$0x3FDB];
	_ =	sdelay $0x1  }
0x9f: {  	s19 =	simm.s32 $_scs_section_size  }
0xa0: {  	s6 =	simm.s32 $_size__tile_overlayer_lowered;
	s7 =	simm.s32 $_tile_overlayer_lowered  }
0xa1: {  	s22 =	simm.s32 $0x1BFF;
	s21 =	sshll.u32 s7, $0x1;
	s4 =	sadd.s32 s19, s18  }
0xa2: {  	s8 =	simm.s32 $0x0;
	s20 =	sshll.u32 s6, $0x1;
	s6 =	sadd.s32 s21, s4  }
0xa3: {  	[timem:s8], [sflag:s22] =	dma.local [hbm:s6], s20  }
0xa4: {  	_ =	swait.ge [sflag:s22], s20  }
0xa5: {  	s5 =	ssub.s32 $0x0, s20;
	[sflag:s22] =	ssyncset.done $0x0  }
0xa6: {  	[sflag:s22] =	ssyncadd.s32 s5;
	_ =	sdelay $0x1  }
0xa7: {  	s23 =	simm.s32 $0x1B8B  }
0xa8: {  	_ =	swait.ge [sflag:s23], $0x1  }
0xa9: {  	[sflag:s23] =	ssyncset.done $0x0  }
0xaa: {  	s25 =	simm.s32 $0x1B8E;
	s24 =	sld [smem:$0x3FFE];
	[sflag:s23] =	ssyncadd.s32 $0xFFFFFFFF  }
0xab: {  	s26 =	simm.s32 $execute0_lowered;
	[smem:$0x3FD2] =	sst s25  }
0xac: {  	s6 =	sshll.u32 s26, $0x1;
	_ =	strace $0x80000046;
	[dreg:$0x1] =	wrdreg $0xFFFFFFFF  }
0xad: {  	s28 =	simm.s32 $_size_execute0_lowered;
	s4 =	sadd.s32 s4, s6;
	[dreg:$0x0] =	wrdreg $0x0  }
0xae: {  	s6 =	sshll.u32 s28, $0x1;
	[dreg:$0x2] =	wrdreg s4  }
0xaf: {  	[dreg:$0x3] =	wrdreg s6  }
0xb0: {  	[dreg:$0x4] =	wrdreg $0xC0  }
0xb1: {  	_ =	task [dreg:s8], $0x5FFFF  }
0xb2: {  	[dreg:$0x1] =	wrdreg $0xFFFFFFFF  }
0xb3: {  	[dreg:$0x0] =	wrdreg $0x60  }
0xb4: {  	[dreg:$0x2] =	wrdreg s15  }
0xb5: {  	[dreg:$0x3] =	wrdreg s16  }
0xb6: {  	[dreg:$0x4] =	wrdreg s24  }
0xb7: {  	[dreg:$0x5] =	wrdreg $0x9  }
0xb8: {  	_ =	task.clear_ibuf [dreg:s8], $0x6FFFF;
	_ =	strace $0x90000046  }
0xb9: {  	s29 =	simm.s32 $0x9;
	_ =	strace $0x80000048  }
0xba: {  	_ =	swait.ge [sflag:s29], $0x1  }
0xbb: {  	[sflag:s29] =	ssyncadd.s32 $0xFFFFFFFF  }
0xbc: {  	_ =	strace $0x90000048  }
0xbd: {  	_ =	sfence  }
0xbe: {  	s30 =	sld [smem:$0x0];
	_ =	sdelay $0x2  }
0xbf: {  	s31 =	sshll.u32 s1, $0xD;
	s1 =	sshrl.u32 s1, $0x2  }
0xc0: {  	s3 =	sand.u32 $0x4000, s31;
	s1 =	sadd.s32 s1, s30  }
0xc1: {  	s0 =	sor.u32 s3, s0;
	s1 =	sshll.u32 s1, $0x11  }
0xc2: {  	s0 =	sor.u32 s1, s0  }
0xc3: {  	s0 =	sadd.s32 $0x8F2B, s0  }
0xc4: {  	[sflag:s0] =	ssyncadd.remote.s32 $0x1  }
0xc5: {  	_ =	sfence.sel $0xFFFF  }
0xc6: {  	[dreg:$0x0] =	wrdreg $0xFFFFFFFF;
	(pc) =	sbr.abs _section_cstart, $3  }
0xc7: {  	[dreg:$0x1] =	wrdreg $0xFFFFFFFF  }
0xc8: {  	_ =	task.clear_ibuf [dreg:s8], $0x2FFFF;
	_ =	strace $0x9FFFFFFF  }
0xc9: {  	(tm) =	ssettm $0x7FFFFFFF  }
tec
execute0_lowered:
.L_overlay_start_1:
0x0: {  	(tag) =	ssettag $0x1  }
0x1: {  	s0 =	srdreg.scid  }
0x2: {  	s1 =	rddreg [dreg:$0x0];
	s3 =	stileid.u32;
	s0 =	sand.u32 $0x1, s0  }
0x3: {  	s2 =	rddreg [dreg:$0x1];
	s5 =	sshll.u32 s3, $0xA;
	s6 =	sshll.u32 s0, $0x9  }
0x4: {  	s4 =	rddreg [dreg:$0x2];
	s5 =	sor.u32 s6, s5  }
0x5: {  	s3 =	simm.s32 $0x0;
	s6 =	sshll.u32 s5, $0x7;
	s5 =	sshrl.u32 s5, $0x3  }
0x6: {  	[smem:$0x7FF] =	sst s3;
	s7 =	sadd.s32 s6, s4;
	s2 =	sadd.s32 s2, s5  }
0x7: {  	_ =	strace $0x80000047;
	[dreg:$0x4] =	wrdreg s2;
	s14 =	sadd.s32 $0x1000, s7  }
0x8: {  	s15 =	sadd.s32 $0x2000, s7;
	[dreg:$0x5] =	wrdreg s14  }
0x9: {  	s16 =	sadd.s32 $0x3000, s7;
	[dreg:$0x6] =	wrdreg s15  }
0xa: {  	s17 =	sadd.s32 $0x4000, s7;
	[dreg:$0x7] =	wrdreg s16  }
0xb: {  	s18 =	sadd.s32 $0x5000, s7;
	[dreg:$0x8] =	wrdreg s17  }
0xc: {  	s19 =	sadd.s32 $0x6000, s7;
	[dreg:$0x9] =	wrdreg s18  }
0xd: {  	s20 =	sadd.s32 $0x7000, s7;
	[dreg:$0xa] =	wrdreg s19  }
0xe: {  	s21 =	sadd.s32 $0x8000, s7;
	[dreg:$0xb] =	wrdreg s20  }
0xf: {  	s9 =	simm.s32 $0x200;
	s22 =	sadd.s32 $0x9000, s7;
	[dreg:$0xc] =	wrdreg s21  }
0x10: {  	s0 =	ssub.s32 $0x2, s0;
	s23 =	sadd.s32 $0xA000, s7;
	[dreg:$0xd] =	wrdreg s22  }
0x11: {  	s25 =	sshrl.u32 s0, $0x1;
	s24 =	sadd.s32 $0xB000, s7;
	[dreg:$0xe] =	wrdreg s23  }
0x12: {  	s0 =	ssub.s32 s0, s25;
	s26 =	sadd.s32 $0xC000, s7;
	[dreg:$0xf] =	wrdreg s24  }
0x13: {  	s25 =	simm.s32 $0x8200;
	s28 =	sadd.s32 $0xD000, s7;
	[dreg:$0x10] =	wrdreg s26  }
0x14: {  	s4 =	sadd.s32 $0x100, s1;
	s29 =	sadd.s32 $0xE000, s7;
	[dreg:$0x11] =	wrdreg s28  }
0x15: {  	s5 =	sadd.s32 $0x200, s1;
	s30 =	sadd.s32 $0xF000, s7;
	[dreg:$0x12] =	wrdreg s29  }
0x16: {  	v2 =	vlaneseq.u32;
	s6 =	sadd.s32 $0x300, s1;
	s31 =	sadd.s32 $0x10000, s7;
	[dreg:$0x13] =	wrdreg s30  }
0x17: {  	vm0 =	vmmov $0xffff;
	v1 =	vshrl.u32 v2, $0x3;
	[dreg:$0x14] =	wrdreg s31;
	s24 =	smax.u32 s0, $0x1;
	s17 =	simm.s32 $0x1  }
0x18: {  	v0 =	vand.u32 $0x7, v2;
	v2 =	vor.u32 $0x8, v2;
	v1 =	vmul.u32 $0x8, v1;
	s18 =	simm.s32 $0x3;
	s19 =	simm.s32 $0x2;
	s20 =	simm.s32 $0x4  }
.LBB2_1:
0x19: {  	s21 =	rddreg [dreg:$0x4];
	s16 =	simm.s32 $0x5  }
0x1a: {  	[tilespmem:s3], [sflag:$0x5] =	stream.linear.gather [hbm4b:s21+s3], $0x200, $0x38;
	[tilespmem:$0x10200] =	vst v63  }
0x1b: {  	_ =	swait.ge [sflag:s16], $0x200  }
0x1c: {  	[sflag:s16] =	ssyncset.done $0x0  }
0x1d: {  	[sflag:s16] =	ssyncadd.s32 $0xFFFFFE00  }
0x1e: {  	v3 =	vld [tilespmem:$0x0];
	_ =	sdelay $0x4  }
0x1f: {  	v4 =	vshll.u32 v3, $0x3  }
0x20: {  	v3 =	vand.u32 $0x7, v3;
	v4 =	vand.u32 $0xFFFFFFC0, v4  }
0x21: {  	v3 =	vor.u32 v3, v4  }
0x22: {  	v4 =	vperm.xlane v3, v0;
	_ =	sdelay $0x1  }
0x23: {  	v4 =	vadd.s32 v1, v4;
	_ =	sdelay $0x4  }
0x24: {  	[tilespmem:s9], [sflag:$0x1] =	stream.indirect_vreg.gather [hbm4b:s1+s3], $0x80, v4, vm0, $0xb8;
	[tilespmem:$0x10200] =	vst v63  }
0x25: {  	s0 =	simm.s32 $0xA00;
	v3 =	vperm.xlane v3, v2  }
0x26: {  	[tilespmem:s0], [sflag:$0x1] =	stream.indirect_vreg.gather [hbm4b:s4+s3], $0x80, v4, vm0, $0xb8;
	[tilespmem:$0x10200] =	vst v63  }
0x27: {  	s21 =	simm.s32 $0x1200;
	v3 =	vadd.s32 v1, v3  }
0x28: {  	[tilespmem:s21], [sflag:$0x1] =	stream.indirect_vreg.gather [hbm4b:s5+s3], $0x80, v4, vm0, $0xb8;
	[tilespmem:$0x10200] =	vst v63  }
0x29: {  	s22 =	simm.s32 $0x1A00  }
0x2a: {  	[tilespmem:s22], [sflag:$0x1] =	stream.indirect_vreg.gather [hbm4b:s6+s3], $0x80, v4, vm0, $0xb8;
	[tilespmem:$0x10200] =	vst v63  }
0x2b: {  	s23 =	simm.s32 $0x2200  }
0x2c: {  	[tilespmem:s23], [sflag:$0x1] =	stream.indirect_vreg.gather [hbm4b:s1+s3], $0x80, v3, vm0, $0xb8;
	[tilespmem:$0x10200] =	vst v63  }
0x2d: {  	s26 =	simm.s32 $0x2A00  }
0x2e: {  	[tilespmem:s26], [sflag:$0x1] =	stream.indirect_vreg.gather [hbm4b:s4+s3], $0x80, v3, vm0, $0xb8;
	[tilespmem:$0x10200] =	vst v63  }
0x2f: {  	s28 =	simm.s32 $0x3200  }
0x30: {  	[tilespmem:s28], [sflag:$0x1] =	stream.indirect_vreg.gather [hbm4b:s5+s3], $0x80, v3, vm0, $0xb8;
	[tilespmem:$0x10200] =	vst v63  }
0x31: {  	s29 =	simm.s32 $0x3A00  }
0x32: {  	[tilespmem:s29], [sflag:$0x1] =	stream.indirect_vreg.gather [hbm4b:s6+s3], $0x80, v3, vm0, $0xb8;
	[tilespmem:$0x10200] =	vst v63  }
0x33: {  	v3 =	vld [tilespmem:$0x10];
	_ =	sdelay $0x4  }
0x34: {  	v33 =	vshll.u32 v3, $0x3  }
0x35: {  	v3 =	vand.u32 $0x7, v3;
	v4 =	vand.u32 $0xFFFFFFC0, v33  }
0x36: {  	v3 =	vor.u32 v3, v4  }
0x37: {  	v4 =	vperm.xlane v3, v0;
	_ =	sdelay $0x1  }
0x38: {  	v4 =	vadd.s32 v1, v4;
	_ =	sdelay $0x3  }
0x39: {  	s30 =	simm.s32 $0x4200  }
0x3a: {  	[tilespmem:s30], [sflag:$0x1] =	stream.indirect_vreg.gather [hbm4b:s1+s3], $0x80, v4, vm0, $0xb8;
	[tilespmem:$0x10200] =	vst v63  }
0x3b: {  	s31 =	simm.s32 $0x4A00;
	v3 =	vperm.xlane v3, v2  }
0x3c: {  	[tilespmem:s31], [sflag:$0x1] =	stream.indirect_vreg.gather [hbm4b:s4+s3], $0x80, v4, vm0, $0xb8;
	[tilespmem:$0x10200] =	vst v63  }
0x3d: {  	s11 =	simm.s32 $0x5200;
	v3 =	vadd.s32 v1, v3  }
0x3e: {  	[tilespmem:s11], [sflag:$0x1] =	stream.indirect_vreg.gather [hbm4b:s5+s3], $0x80, v4, vm0, $0xb8;
	[tilespmem:$0x10200] =	vst v63  }
0x3f: {  	s12 =	simm.s32 $0x5A00  }
0x40: {  	[tilespmem:s12], [sflag:$0x1] =	stream.indirect_vreg.gather [hbm4b:s6+s3], $0x80, v4, vm0, $0xb8;
	[tilespmem:$0x10200] =	vst v63  }
0x41: {  	s13 =	simm.s32 $0x6200  }
0x42: {  	[tilespmem:s13], [sflag:$0x1] =	stream.indirect_vreg.gather [hbm4b:s1+s3], $0x80, v3, vm0, $0xb8;
	[tilespmem:$0x10200] =	vst v63  }
0x43: {  	s14 =	simm.s32 $0x6A00  }
0x44: {  	[tilespmem:s14], [sflag:$0x1] =	stream.indirect_vreg.gather [hbm4b:s4+s3], $0x80, v3, vm0, $0xb8;
	[tilespmem:$0x10200] =	vst v63  }
0x45: {  	s21 =	simm.s32 $0x7200  }
0x46: {  	[tilespmem:s21], [sflag:$0x1] =	stream.indirect_vreg.gather [hbm4b:s5+s3], $0x80, v3, vm0, $0xb8;
	[tilespmem:$0x10200] =	vst v63  }
0x47: {  	s23 =	simm.s32 $0x7A00  }
0x48: {  	[tilespmem:s23], [sflag:$0x1] =	stream.indirect_vreg.gather [hbm4b:s6+s3], $0x80, v3, vm0, $0xb8;
	[tilespmem:$0x10200] =	vst v63  }
0x49: {  	v3 =	vld [tilespmem:$0x20];
	_ =	sdelay $0x4  }
0x4a: {  	v34 =	vshll.u32 v3, $0x3  }
0x4b: {  	v3 =	vand.u32 $0x7, v3;
	v4 =	vand.u32 $0xFFFFFFC0, v34  }
0x4c: {  	v3 =	vor.u32 v3, v4  }
0x4d: {  	v4 =	vperm.xlane v3, v0;
	_ =	sdelay $0x1  }
0x4e: {  	v4 =	vadd.s32 v1, v4;
	_ =	sdelay $0x4  }
0x4f: {  	[tilespmem:s25], [sflag:$0x2] =	stream.indirect_vreg.gather [hbm4b:s1+s3], $0x80, v4, vm0, $0xb8;
	[tilespmem:$0x10200] =	vst v63  }
0x50: {  	s26 =	simm.s32 $0x8A00;
	v3 =	vperm.xlane v3, v2  }
0x51: {  	[tilespmem:s26], [sflag:$0x2] =	stream.indirect_vreg.gather [hbm4b:s4+s3], $0x80, v4, vm0, $0xb8;
	[tilespmem:$0x10200] =	vst v63  }
0x52: {  	s28 =	simm.s32 $0x9200;
	v3 =	vadd.s32 v1, v3  }
0x53: {  	[tilespmem:s28], [sflag:$0x2] =	stream.indirect_vreg.gather [hbm4b:s5+s3], $0x80, v4, vm0, $0xb8;
	[tilespmem:$0x10200] =	vst v63  }
0x54: {  	s30 =	simm.s32 $0x9A00  }
0x55: {  	[tilespmem:s30], [sflag:$0x2] =	stream.indirect_vreg.gather [hbm4b:s6+s3], $0x80, v4, vm0, $0xb8;
	[tilespmem:$0x10200] =	vst v63  }
0x56: {  	s31 =	simm.s32 $0xA200  }
0x57: {  	[tilespmem:s31], [sflag:$0x2] =	stream.indirect_vreg.gather [hbm4b:s1+s3], $0x80, v3, vm0, $0xb8;
	[tilespmem:$0x10200] =	vst v63  }
0x58: {  	s0 =	simm.s32 $0xAA00  }
0x59: {  	[tilespmem:s0], [sflag:$0x2] =	stream.indirect_vreg.gather [hbm4b:s4+s3], $0x80, v3, vm0, $0xb8;
	[tilespmem:$0x10200] =	vst v63  }
0x5a: {  	s11 =	simm.s32 $0xB200  }
0x5b: {  	[tilespmem:s11], [sflag:$0x2] =	stream.indirect_vreg.gather [hbm4b:s5+s3], $0x80, v3, vm0, $0xb8;
	[tilespmem:$0x10200] =	vst v63  }
0x5c: {  	s12 =	simm.s32 $0xBA00  }
0x5d: {  	[tilespmem:s12], [sflag:$0x2] =	stream.indirect_vreg.gather [hbm4b:s6+s3], $0x80, v3, vm0, $0xb8;
	[tilespmem:$0x10200] =	vst v63  }
0x5e: {  	v3 =	vld [tilespmem:$0x30];
	_ =	sdelay $0x4  }
0x5f: {  	v35 =	vshll.u32 v3, $0x3  }
0x60: {  	v3 =	vand.u32 $0x7, v3;
	v4 =	vand.u32 $0xFFFFFFC0, v35  }
0x61: {  	v3 =	vor.u32 v3, v4  }
0x62: {  	v4 =	vperm.xlane v3, v0;
	_ =	sdelay $0x1  }
0x63: {  	v4 =	vadd.s32 v1, v4;
	_ =	sdelay $0x3  }
0x64: {  	s13 =	simm.s32 $0xC200  }
0x65: {  	[tilespmem:s13], [sflag:$0x2] =	stream.indirect_vreg.gather [hbm4b:s1+s3], $0x80, v4, vm0, $0xb8;
	[tilespmem:$0x10200] =	vst v63  }
0x66: {  	s14 =	simm.s32 $0xCA00;
	v3 =	vperm.xlane v3, v2  }
0x67: {  	[tilespmem:s14], [sflag:$0x2] =	stream.indirect_vreg.gather [hbm4b:s4+s3], $0x80, v4, vm0, $0xb8;
	[tilespmem:$0x10200] =	vst v63  }
0x68: {  	s23 =	simm.s32 $0xD200;
	v3 =	vadd.s32 v1, v3  }
0x69: {  	[tilespmem:s23], [sflag:$0x2] =	stream.indirect_vreg.gather [hbm4b:s5+s3], $0x80, v4, vm0, $0xb8;
	[tilespmem:$0x10200] =	vst v63  }
0x6a: {  	s30 =	simm.s32 $0xDA00  }
0x6b: {  	[tilespmem:s30], [sflag:$0x2] =	stream.indirect_vreg.gather [hbm4b:s6+s3], $0x80, v4, vm0, $0xb8;
	[tilespmem:$0x10200] =	vst v63  }
0x6c: {  	s31 =	simm.s32 $0xE200  }
0x6d: {  	[tilespmem:s31], [sflag:$0x2] =	stream.indirect_vreg.gather [hbm4b:s1+s3], $0x80, v3, vm0, $0xb8;
	[tilespmem:$0x10200] =	vst v63  }
0x6e: {  	s0 =	simm.s32 $0xEA00  }
0x6f: {  	[tilespmem:s0], [sflag:$0x2] =	stream.indirect_vreg.gather [hbm4b:s4+s3], $0x80, v3, vm0, $0xb8;
	[tilespmem:$0x10200] =	vst v63  }
0x70: {  	s11 =	simm.s32 $0xF200  }
0x71: {  	[tilespmem:s11], [sflag:$0x2] =	stream.indirect_vreg.gather [hbm4b:s5+s3], $0x80, v3, vm0, $0xb8;
	[tilespmem:$0x10200] =	vst v63  }
0x72: {  	s23 =	simm.s32 $0xFA00  }
0x73: {  	[tilespmem:s23], [sflag:$0x2] =	stream.indirect_vreg.gather [hbm4b:s6+s3], $0x80, v3, vm0, $0xb8;
	[tilespmem:$0x10200] =	vst v63  }
0x74: {  	_ =	swait.ge [sflag:s17], $0x8000  }
0x75: {  	[sflag:s17] =	ssyncset.done $0x0  }
0x76: {  	s0 =	rddreg [dreg:$0x5];
	[sflag:s17] =	ssyncadd.s32 $0xFFFF8000  }
0x77: {  	[hbm4b:s0+s3] =	stream.linear.scatter [tilespmem:s9], [sflag:$0x3], $0x8000, $0x38;
	[tilespmem:$0x10200] =	vst v63  }
0x78: {  	_ =	swait.ge [sflag:s18], $0x8000  }
0x79: {  	[sflag:s18] =	ssyncset.done $0x0  }
0x7a: {  	[sflag:s18] =	ssyncadd.s32 $0xFFFF8000  }
0x7b: {  	v3 =	vld [tilespmem:$0x40];
	_ =	sdelay $0x4  }
0x7c: {  	v36 =	vshll.u32 v3, $0x3  }
0x7d: {  	v3 =	vand.u32 $0x7, v3;
	v4 =	vand.u32 $0xFFFFFFC0, v36  }
0x7e: {  	v3 =	vor.u32 v3, v4  }
0x7f: {  	v4 =	vperm.xlane v3, v0;
	_ =	sdelay $0x1  }
0x80: {  	v4 =	vadd.s32 v1, v4;
	_ =	sdelay $0x4  }
0x81: {  	[tilespmem:s9], [sflag:$0x1] =	stream.indirect_vreg.gather [hbm4b:s1+s3], $0x80, v4, vm0, $0xb8;
	[tilespmem:$0x10200] =	vst v63  }
0x82: {  	s16 =	simm.s32 $0xA00;
	v3 =	vperm.xlane v3, v2  }
0x83: {  	[tilespmem:s16], [sflag:$0x1] =	stream.indirect_vreg.gather [hbm4b:s4+s3], $0x80, v4, vm0, $0xb8;
	[tilespmem:$0x10200] =	vst v63  }
0x84: {  	s2 =	simm.s32 $0x1200;
	v3 =	vadd.s32 v1, v3  }
0x85: {  	[tilespmem:s2], [sflag:$0x1] =	stream.indirect_vreg.gather [hbm4b:s5+s3], $0x80, v4, vm0, $0xb8;
	[tilespmem:$0x10200] =	vst v63  }
0x86: {  	s7 =	simm.s32 $0x1A00  }
0x87: {  	[tilespmem:s7], [sflag:$0x1] =	stream.indirect_vreg.gather [hbm4b:s6+s3], $0x80, v4, vm0, $0xb8;
	[tilespmem:$0x10200] =	vst v63  }
0x88: {  	s8 =	simm.s32 $0x2200  }
0x89: {  	[tilespmem:s8], [sflag:$0x1] =	stream.indirect_vreg.gather [hbm4b:s1+s3], $0x80, v3, vm0, $0xb8;
	[tilespmem:$0x10200] =	vst v63  }
0x8a: {  	s10 =	simm.s32 $0x2A00  }
0x8b: {  	[tilespmem:s10], [sflag:$0x1] =	stream.indirect_vreg.gather [hbm4b:s4+s3], $0x80, v3, vm0, $0xb8;
	[tilespmem:$0x10200] =	vst v63  }
0x8c: {  	s15 =	simm.s32 $0x3200  }
0x8d: {  	[tilespmem:s15], [sflag:$0x1] =	stream.indirect_vreg.gather [hbm4b:s5+s3], $0x80, v3, vm0, $0xb8;
	[tilespmem:$0x10200] =	vst v63  }
0x8e: {  	s22 =	simm.s32 $0x3A00  }
0x8f: {  	[tilespmem:s22], [sflag:$0x1] =	stream.indirect_vreg.gather [hbm4b:s6+s3], $0x80, v3, vm0, $0xb8;
	[tilespmem:$0x10200] =	vst v63  }
0x90: {  	v3 =	vld [tilespmem:$0x50];
	_ =	sdelay $0x4  }
0x91: {  	v37 =	vshll.u32 v3, $0x3  }
0x92: {  	v3 =	vand.u32 $0x7, v3;
	v4 =	vand.u32 $0xFFFFFFC0, v37  }
0x93: {  	v3 =	vor.u32 v3, v4  }
0x94: {  	v4 =	vperm.xlane v3, v0;
	_ =	sdelay $0x1  }
0x95: {  	v4 =	vadd.s32 v1, v4;
	_ =	sdelay $0x3  }
0x96: {  	s23 =	simm.s32 $0x4200  }
0x97: {  	[tilespmem:s23], [sflag:$0x1] =	stream.indirect_vreg.gather [hbm4b:s1+s3], $0x80, v4, vm0, $0xb8;
	[tilespmem:$0x10200] =	vst v63  }
0x98: {  	s29 =	simm.s32 $0x4A00;
	v3 =	vperm.xlane v3, v2  }
0x99: {  	[tilespmem:s29], [sflag:$0x1] =	stream.indirect_vreg.gather [hbm4b:s4+s3], $0x80, v4, vm0, $0xb8;
	[tilespmem:$0x10200] =	vst v63  }
0x9a: {  	s7 =	simm.s32 $0x5200;
	v3 =	vadd.s32 v1, v3  }
0x9b: {  	[tilespmem:s7], [sflag:$0x1] =	stream.indirect_vreg.gather [hbm4b:s5+s3], $0x80, v4, vm0, $0xb8;
	[tilespmem:$0x10200] =	vst v63  }
0x9c: {  	s8 =	simm.s32 $0x5A00  }
0x9d: {  	[tilespmem:s8], [sflag:$0x1] =	stream.indirect_vreg.gather [hbm4b:s6+s3], $0x80, v4, vm0, $0xb8;
	[tilespmem:$0x10200] =	vst v63  }
0x9e: {  	s29 =	simm.s32 $0x6200  }
0x9f: {  	[tilespmem:s29], [sflag:$0x1] =	stream.indirect_vreg.gather [hbm4b:s1+s3], $0x80, v3, vm0, $0xb8;
	[tilespmem:$0x10200] =	vst v63  }
0xa0: {  	s15 =	simm.s32 $0x6A00  }
0xa1: {  	[tilespmem:s15], [sflag:$0x1] =	stream.indirect_vreg.gather [hbm4b:s4+s3], $0x80, v3, vm0, $0xb8;
	[tilespmem:$0x10200] =	vst v63  }
0xa2: {  	s16 =	simm.s32 $0x7200  }
0xa3: {  	[tilespmem:s16], [sflag:$0x1] =	stream.indirect_vreg.gather [hbm4b:s5+s3], $0x80, v3, vm0, $0xb8;
	[tilespmem:$0x10200] =	vst v63  }
0xa4: {  	s22 =	simm.s32 $0x7A00  }
0xa5: {  	[tilespmem:s22], [sflag:$0x1] =	stream.indirect_vreg.gather [hbm4b:s6+s3], $0x80, v3, vm0, $0xb8;
	[tilespmem:$0x10200] =	vst v63  }
0xa6: {  	_ =	swait.ge [sflag:s19], $0x8000  }
0xa7: {  	[sflag:s19] =	ssyncset.done $0x0  }
0xa8: {  	s10 =	rddreg [dreg:$0x6];
	[sflag:s19] =	ssyncadd.s32 $0xFFFF8000  }
0xa9: {  	[hbm4b:s10+s3] =	stream.linear.scatter [tilespmem:s25], [sflag:$0x4], $0x8000, $0x38;
	[tilespmem:$0x10200] =	vst v63  }
0xaa: {  	_ =	swait.ge [sflag:s20], $0x8000  }
0xab: {  	[sflag:s20] =	ssyncset.done $0x0  }
0xac: {  	[sflag:s20] =	ssyncadd.s32 $0xFFFF8000  }
0xad: {  	v3 =	vld [tilespmem:$0x60];
	_ =	sdelay $0x4  }
0xae: {  	v38 =	vshll.u32 v3, $0x3  }
0xaf: {  	v3 =	vand.u32 $0x7, v3;
	v4 =	vand.u32 $0xFFFFFFC0, v38  }
0xb0: {  	v3 =	vor.u32 v3, v4  }
0xb1: {  	v4 =	vperm.xlane v3, v0;
	_ =	sdelay $0x1  }
0xb2: {  	v4 =	vadd.s32 v1, v4;
	_ =	sdelay $0x4  }
0xb3: {  	[tilespmem:s25], [sflag:$0x2] =	stream.indirect_vreg.gather [hbm4b:s1+s3], $0x80, v4, vm0, $0xb8;
	[tilespmem:$0x10200] =	vst v63  }
0xb4: {  	s2 =	simm.s32 $0x8A00;
	v3 =	vperm.xlane v3, v2  }
0xb5: {  	[tilespmem:s2], [sflag:$0x2] =	stream.indirect_vreg.gather [hbm4b:s4+s3], $0x80, v4, vm0, $0xb8;
	[tilespmem:$0x10200] =	vst v63  }
0xb6: {  	s0 =	simm.s32 $0x9200;
	v3 =	vadd.s32 v1, v3  }
0xb7: {  	[tilespmem:s0], [sflag:$0x2] =	stream.indirect_vreg.gather [hbm4b:s5+s3], $0x80, v4, vm0, $0xb8;
	[tilespmem:$0x10200] =	vst v63  }
0xb8: {  	s21 =	simm.s32 $0x9A00  }
0xb9: {  	[tilespmem:s21], [sflag:$0x2] =	stream.indirect_vreg.gather [hbm4b:s6+s3], $0x80, v4, vm0, $0xb8;
	[tilespmem:$0x10200] =	vst v63  }
0xba: {  	s26 =	simm.s32 $0xA200  }
0xbb: {  	[tilespmem:s26], [sflag:$0x2] =	stream.indirect_vreg.gather [hbm4b:s1+s3], $0x80, v3, vm0, $0xb8;
	[tilespmem:$0x10200] =	vst v63  }
0xbc: {  	s28 =	simm.s32 $0xAA00  }
0xbd: {  	[tilespmem:s28], [sflag:$0x2] =	stream.indirect_vreg.gather [hbm4b:s4+s3], $0x80, v3, vm0, $0xb8;
	[tilespmem:$0x10200] =	vst v63  }
0xbe: {  	s28 =	simm.s32 $0xB200  }
0xbf: {  	[tilespmem:s28], [sflag:$0x2] =	stream.indirect_vreg.gather [hbm4b:s5+s3], $0x80, v3, vm0, $0xb8;
	[tilespmem:$0x10200] =	vst v63  }
0xc0: {  	s12 =	simm.s32 $0xBA00  }
0xc1: {  	[tilespmem:s12], [sflag:$0x2] =	stream.indirect_vreg.gather [hbm4b:s6+s3], $0x80, v3, vm0, $0xb8;
	[tilespmem:$0x10200] =	vst v63  }
0xc2: {  	v3 =	vld [tilespmem:$0x70];
	_ =	sdelay $0x4  }
0xc3: {  	v39 =	vshll.u32 v3, $0x3  }
0xc4: {  	v3 =	vand.u32 $0x7, v3;
	v4 =	vand.u32 $0xFFFFFFC0, v39  }
0xc5: {  	v3 =	vor.u32 v3, v4  }
0xc6: {  	v4 =	vperm.xlane v3, v0;
	_ =	sdelay $0x1  }
0xc7: {  	v4 =	vadd.s32 v1, v4;
	_ =	sdelay $0x3  }
0xc8: {  	s13 =	simm.s32 $0xC200  }
0xc9: {  	[tilespmem:s13], [sflag:$0x2] =	stream.indirect_vreg.gather [hbm4b:s1+s3], $0x80, v4, vm0, $0xb8;
	[tilespmem:$0x10200] =	vst v63  }
0xca: {  	s14 =	simm.s32 $0xCA00;
	v3 =	vperm.xlane v3, v2  }
0xcb: {  	[tilespmem:s14], [sflag:$0x2] =	stream.indirect_vreg.gather [hbm4b:s4+s3], $0x80, v4, vm0, $0xb8;
	[tilespmem:$0x10200] =	vst v63  }
0xcc: {  	v3 =	vadd.s32 v1, v3;
	s13 =	simm.s32 $0xD200  }
0xcd: {  	[tilespmem:s13], [sflag:$0x2] =	stream.indirect_vreg.gather [hbm4b:s5+s3], $0x80, v4, vm0, $0xb8;
	[tilespmem:$0x10200] =	vst v63  }
0xce: {  	s14 =	simm.s32 $0xDA00  }
0xcf: {  	[tilespmem:s14], [sflag:$0x2] =	stream.indirect_vreg.gather [hbm4b:s6+s3], $0x80, v4, vm0, $0xb8;
	[tilespmem:$0x10200] =	vst v63  }
0xd0: {  	s21 =	simm.s32 $0xE200  }
0xd1: {  	[tilespmem:s21], [sflag:$0x2] =	stream.indirect_vreg.gather [hbm4b:s1+s3], $0x80, v3, vm0, $0xb8;
	[tilespmem:$0x10200] =	vst v63  }
0xd2: {  	s30 =	simm.s32 $0xEA00  }
0xd3: {  	[tilespmem:s30], [sflag:$0x2] =	stream.indirect_vreg.gather [hbm4b:s4+s3], $0x80, v3, vm0, $0xb8;
	[tilespmem:$0x10200] =	vst v63  }
0xd4: {  	s31 =	simm.s32 $0xF200  }
0xd5: {  	[tilespmem:s31], [sflag:$0x2] =	stream.indirect_vreg.gather [hbm4b:s5+s3], $0x80, v3, vm0, $0xb8;
	[tilespmem:$0x10200] =	vst v63  }
0xd6: {  	s11 =	simm.s32 $0xFA00  }
0xd7: {  	[tilespmem:s11], [sflag:$0x2] =	stream.indirect_vreg.gather [hbm4b:s6+s3], $0x80, v3, vm0, $0xb8;
	[tilespmem:$0x10200] =	vst v63  }
0xd8: {  	_ =	swait.ge [sflag:s17], $0x8000  }
0xd9: {  	[sflag:s17] =	ssyncset.done $0x0  }
0xda: {  	s21 =	rddreg [dreg:$0x7];
	[sflag:s17] =	ssyncadd.s32 $0xFFFF8000  }
0xdb: {  	[hbm4b:s21+s3] =	stream.linear.scatter [tilespmem:s9], [sflag:$0x3], $0x8000, $0x38;
	[tilespmem:$0x10200] =	vst v63  }
0xdc: {  	_ =	swait.ge [sflag:s18], $0x8000  }
0xdd: {  	[sflag:s18] =	ssyncset.done $0x0  }
0xde: {  	[sflag:s18] =	ssyncadd.s32 $0xFFFF8000  }
0xdf: {  	v3 =	vld [tilespmem:$0x80];
	_ =	sdelay $0x4  }
0xe0: {  	v40 =	vshll.u32 v3, $0x3  }
0xe1: {  	v3 =	vand.u32 $0x7, v3;
	v4 =	vand.u32 $0xFFFFFFC0, v40  }
0xe2: {  	v3 =	vor.u32 v3, v4  }
0xe3: {  	v4 =	vperm.xlane v3, v0;
	_ =	sdelay $0x1  }
0xe4: {  	v4 =	vadd.s32 v1, v4;
	_ =	sdelay $0x4  }
0xe5: {  	[tilespmem:s9], [sflag:$0x1] =	stream.indirect_vreg.gather [hbm4b:s1+s3], $0x80, v4, vm0, $0xb8;
	[tilespmem:$0x10200] =	vst v63  }
0xe6: {  	s21 =	simm.s32 $0xA00;
	v3 =	vperm.xlane v3, v2  }
0xe7: {  	[tilespmem:s21], [sflag:$0x1] =	stream.indirect_vreg.gather [hbm4b:s4+s3], $0x80, v4, vm0, $0xb8;
	[tilespmem:$0x10200] =	vst v63  }
0xe8: {  	v3 =	vadd.s32 v1, v3;
	s21 =	simm.s32 $0x1200  }
0xe9: {  	[tilespmem:s21], [sflag:$0x1] =	stream.indirect_vreg.gather [hbm4b:s5+s3], $0x80, v4, vm0, $0xb8;
	[tilespmem:$0x10200] =	vst v63  }
0xea: {  	s21 =	simm.s32 $0x1A00  }
0xeb: {  	[tilespmem:s21], [sflag:$0x1] =	stream.indirect_vreg.gather [hbm4b:s6+s3], $0x80, v4, vm0, $0xb8;
	[tilespmem:$0x10200] =	vst v63  }
0xec: {  	s21 =	simm.s32 $0x2200  }
0xed: {  	[tilespmem:s21], [sflag:$0x1] =	stream.indirect_vreg.gather [hbm4b:s1+s3], $0x80, v3, vm0, $0xb8;
	[tilespmem:$0x10200] =	vst v63  }
0xee: {  	s21 =	simm.s32 $0x2A00  }
0xef: {  	[tilespmem:s21], [sflag:$0x1] =	stream.indirect_vreg.gather [hbm4b:s4+s3], $0x80, v3, vm0, $0xb8;
	[tilespmem:$0x10200] =	vst v63  }
0xf0: {  	s21 =	simm.s32 $0x3200  }
0xf1: {  	[tilespmem:s21], [sflag:$0x1] =	stream.indirect_vreg.gather [hbm4b:s5+s3], $0x80, v3, vm0, $0xb8;
	[tilespmem:$0x10200] =	vst v63  }
0xf2: {  	s21 =	simm.s32 $0x3A00  }
0xf3: {  	[tilespmem:s21], [sflag:$0x1] =	stream.indirect_vreg.gather [hbm4b:s6+s3], $0x80, v3, vm0, $0xb8;
	[tilespmem:$0x10200] =	vst v63  }
0xf4: {  	v3 =	vld [tilespmem:$0x90];
	_ =	sdelay $0x4  }
0xf5: {  	v41 =	vshll.u32 v3, $0x3  }
0xf6: {  	v3 =	vand.u32 $0x7, v3;
	v4 =	vand.u32 $0xFFFFFFC0, v41  }
0xf7: {  	v3 =	vor.u32 v3, v4  }
0xf8: {  	v4 =	vperm.xlane v3, v0;
	_ =	sdelay $0x1  }
0xf9: {  	v4 =	vadd.s32 v1, v4;
	_ =	sdelay $0x4  }
0xfa: {  	[tilespmem:s23], [sflag:$0x1] =	stream.indirect_vreg.gather [hbm4b:s1+s3], $0x80, v4, vm0, $0xb8;
	[tilespmem:$0x10200] =	vst v63  }
0xfb: {  	s21 =	simm.s32 $0x4A00;
	v3 =	vperm.xlane v3, v2  }
0xfc: {  	[tilespmem:s21], [sflag:$0x1] =	stream.indirect_vreg.gather [hbm4b:s4+s3], $0x80, v4, vm0, $0xb8;
	[tilespmem:$0x10200] =	vst v63  }
0xfd: {  	v3 =	vadd.s32 v1, v3  }
0xfe: {  	[tilespmem:s7], [sflag:$0x1] =	stream.indirect_vreg.gather [hbm4b:s5+s3], $0x80, v4, vm0, $0xb8;
	[tilespmem:$0x10200] =	vst v63  }
0xff: {  	_ = 	snop  }
0x100: {  	[tilespmem:s8], [sflag:$0x1] =	stream.indirect_vreg.gather [hbm4b:s6+s3], $0x80, v4, vm0, $0xb8;
	[tilespmem:$0x10200] =	vst v63  }
0x101: {  	_ = 	snop  }
0x102: {  	[tilespmem:s29], [sflag:$0x1] =	stream.indirect_vreg.gather [hbm4b:s1+s3], $0x80, v3, vm0, $0xb8;
	[tilespmem:$0x10200] =	vst v63  }
0x103: {  	_ = 	snop  }
0x104: {  	[tilespmem:s15], [sflag:$0x1] =	stream.indirect_vreg.gather [hbm4b:s4+s3], $0x80, v3, vm0, $0xb8;
	[tilespmem:$0x10200] =	vst v63  }
0x105: {  	_ = 	snop  }
0x106: {  	[tilespmem:s16], [sflag:$0x1] =	stream.indirect_vreg.gather [hbm4b:s5+s3], $0x80, v3, vm0, $0xb8;
	[tilespmem:$0x10200] =	vst v63  }
0x107: {  	_ = 	snop  }
0x108: {  	[tilespmem:s22], [sflag:$0x1] =	stream.indirect_vreg.gather [hbm4b:s6+s3], $0x80, v3, vm0, $0xb8;
	[tilespmem:$0x10200] =	vst v63  }
0x109: {  	_ =	swait.ge [sflag:s19], $0x8000  }
0x10a: {  	[sflag:s19] =	ssyncset.done $0x0  }
0x10b: {  	s21 =	rddreg [dreg:$0x8];
	[sflag:s19] =	ssyncadd.s32 $0xFFFF8000  }
0x10c: {  	[hbm4b:s21+s3] =	stream.linear.scatter [tilespmem:s25], [sflag:$0x4], $0x8000, $0x38;
	[tilespmem:$0x10200] =	vst v63  }
0x10d: {  	_ =	swait.ge [sflag:s20], $0x8000  }
0x10e: {  	[sflag:s20] =	ssyncset.done $0x0  }
0x10f: {  	[sflag:s20] =	ssyncadd.s32 $0xFFFF8000  }
0x110: {  	v3 =	vld [tilespmem:$0xA0];
	_ =	sdelay $0x4  }
0x111: {  	v42 =	vshll.u32 v3, $0x3  }
0x112: {  	v3 =	vand.u32 $0x7, v3;
	v4 =	vand.u32 $0xFFFFFFC0, v42  }
0x113: {  	v3 =	vor.u32 v3, v4  }
0x114: {  	v4 =	vperm.xlane v3, v0;
	_ =	sdelay $0x1  }
0x115: {  	v4 =	vadd.s32 v1, v4;
	_ =	sdelay $0x4  }
0x116: {  	[tilespmem:s25], [sflag:$0x2] =	stream.indirect_vreg.gather [hbm4b:s1+s3], $0x80, v4, vm0, $0xb8;
	[tilespmem:$0x10200] =	vst v63  }
0x117: {  	v3 =	vperm.xlane v3, v2  }
0x118: {  	[tilespmem:s2], [sflag:$0x2] =	stream.indirect_vreg.gather [hbm4b:s4+s3], $0x80, v4, vm0, $0xb8;
	[tilespmem:$0x10200] =	vst v63  }
0x119: {  	v3 =	vadd.s32 v1, v3  }
0x11a: {  	[tilespmem:s0], [sflag:$0x2] =	stream.indirect_vreg.gather [hbm4b:s5+s3], $0x80, v4, vm0, $0xb8;
	[tilespmem:$0x10200] =	vst v63  }
0x11b: {  	s21 =	simm.s32 $0x9A00  }
0x11c: {  	[tilespmem:s21], [sflag:$0x2] =	stream.indirect_vreg.gather [hbm4b:s6+s3], $0x80, v4, vm0, $0xb8;
	[tilespmem:$0x10200] =	vst v63  }
0x11d: {  	s10 =	simm.s32 $0xA200  }
0x11e: {  	[tilespmem:s10], [sflag:$0x2] =	stream.indirect_vreg.gather [hbm4b:s1+s3], $0x80, v3, vm0, $0xb8;
	[tilespmem:$0x10200] =	vst v63  }
0x11f: {  	s26 =	simm.s32 $0xAA00  }
0x120: {  	[tilespmem:s26], [sflag:$0x2] =	stream.indirect_vreg.gather [hbm4b:s4+s3], $0x80, v3, vm0, $0xb8;
	[tilespmem:$0x10200] =	vst v63  }
0x121: {  	s28 =	simm.s32 $0xB200  }
0x122: {  	[tilespmem:s28], [sflag:$0x2] =	stream.indirect_vreg.gather [hbm4b:s5+s3], $0x80, v3, vm0, $0xb8;
	[tilespmem:$0x10200] =	vst v63  }
0x123: {  	s21 =	simm.s32 $0xBA00  }
0x124: {  	[tilespmem:s21], [sflag:$0x2] =	stream.indirect_vreg.gather [hbm4b:s6+s3], $0x80, v3, vm0, $0xb8;
	[tilespmem:$0x10200] =	vst v63  }
0x125: {  	v3 =	vld [tilespmem:$0xB0];
	_ =	sdelay $0x4  }
0x126: {  	v43 =	vshll.u32 v3, $0x3  }
0x127: {  	v3 =	vand.u32 $0x7, v3;
	v4 =	vand.u32 $0xFFFFFFC0, v43  }
0x128: {  	v3 =	vor.u32 v3, v4  }
0x129: {  	v4 =	vperm.xlane v3, v0;
	_ =	sdelay $0x1  }
0x12a: {  	v4 =	vadd.s32 v1, v4;
	_ =	sdelay $0x3  }
0x12b: {  	s21 =	simm.s32 $0xC200  }
0x12c: {  	[tilespmem:s21], [sflag:$0x2] =	stream.indirect_vreg.gather [hbm4b:s1+s3], $0x80, v4, vm0, $0xb8;
	[tilespmem:$0x10200] =	vst v63  }
0x12d: {  	v3 =	vperm.xlane v3, v2;
	s21 =	simm.s32 $0xCA00  }
0x12e: {  	[tilespmem:s21], [sflag:$0x2] =	stream.indirect_vreg.gather [hbm4b:s4+s3], $0x80, v4, vm0, $0xb8;
	[tilespmem:$0x10200] =	vst v63  }
0x12f: {  	s12 =	simm.s32 $0xD200;
	v3 =	vadd.s32 v1, v3  }
0x130: {  	[tilespmem:s12], [sflag:$0x2] =	stream.indirect_vreg.gather [hbm4b:s5+s3], $0x80, v4, vm0, $0xb8;
	[tilespmem:$0x10200] =	vst v63  }
0x131: {  	s13 =	simm.s32 $0xDA00  }
0x132: {  	[tilespmem:s13], [sflag:$0x2] =	stream.indirect_vreg.gather [hbm4b:s6+s3], $0x80, v4, vm0, $0xb8;
	[tilespmem:$0x10200] =	vst v63  }
0x133: {  	s14 =	simm.s32 $0xE200  }
0x134: {  	[tilespmem:s14], [sflag:$0x2] =	stream.indirect_vreg.gather [hbm4b:s1+s3], $0x80, v3, vm0, $0xb8;
	[tilespmem:$0x10200] =	vst v63  }
0x135: {  	s30 =	simm.s32 $0xEA00  }
0x136: {  	[tilespmem:s30], [sflag:$0x2] =	stream.indirect_vreg.gather [hbm4b:s4+s3], $0x80, v3, vm0, $0xb8;
	[tilespmem:$0x10200] =	vst v63  }
0x137: {  	s31 =	simm.s32 $0xF200  }
0x138: {  	[tilespmem:s31], [sflag:$0x2] =	stream.indirect_vreg.gather [hbm4b:s5+s3], $0x80, v3, vm0, $0xb8;
	[tilespmem:$0x10200] =	vst v63  }
0x139: {  	s11 =	simm.s32 $0xFA00  }
0x13a: {  	[tilespmem:s11], [sflag:$0x2] =	stream.indirect_vreg.gather [hbm4b:s6+s3], $0x80, v3, vm0, $0xb8;
	[tilespmem:$0x10200] =	vst v63  }
0x13b: {  	_ =	swait.ge [sflag:s17], $0x8000  }
0x13c: {  	[sflag:s17] =	ssyncset.done $0x0  }
0x13d: {  	s21 =	rddreg [dreg:$0x9];
	[sflag:s17] =	ssyncadd.s32 $0xFFFF8000  }
0x13e: {  	[hbm4b:s21+s3] =	stream.linear.scatter [tilespmem:s9], [sflag:$0x3], $0x8000, $0x38;
	[tilespmem:$0x10200] =	vst v63  }
0x13f: {  	_ =	swait.ge [sflag:s18], $0x8000  }
0x140: {  	[sflag:s18] =	ssyncset.done $0x0  }
0x141: {  	[sflag:s18] =	ssyncadd.s32 $0xFFFF8000  }
0x142: {  	v3 =	vld [tilespmem:$0xC0];
	_ =	sdelay $0x4  }
0x143: {  	v44 =	vshll.u32 v3, $0x3  }
0x144: {  	v3 =	vand.u32 $0x7, v3;
	v4 =	vand.u32 $0xFFFFFFC0, v44  }
0x145: {  	v3 =	vor.u32 v3, v4  }
0x146: {  	v4 =	vperm.xlane v3, v0;
	_ =	sdelay $0x1  }
0x147: {  	v4 =	vadd.s32 v1, v4;
	_ =	sdelay $0x4  }
0x148: {  	[tilespmem:s9], [sflag:$0x1] =	stream.indirect_vreg.gather [hbm4b:s1+s3], $0x80, v4, vm0, $0xb8;
	[tilespmem:$0x10200] =	vst v63  }
0x149: {  	s21 =	simm.s32 $0xA00;
	v3 =	vperm.xlane v3, v2  }
0x14a: {  	[tilespmem:s21], [sflag:$0x1] =	stream.indirect_vreg.gather [hbm4b:s4+s3], $0x80, v4, vm0, $0xb8;
	[tilespmem:$0x10200] =	vst v63  }
0x14b: {  	v3 =	vadd.s32 v1, v3;
	s21 =	simm.s32 $0x1200  }
0x14c: {  	[tilespmem:s21], [sflag:$0x1] =	stream.indirect_vreg.gather [hbm4b:s5+s3], $0x80, v4, vm0, $0xb8;
	[tilespmem:$0x10200] =	vst v63  }
0x14d: {  	s21 =	simm.s32 $0x1A00  }
0x14e: {  	[tilespmem:s21], [sflag:$0x1] =	stream.indirect_vreg.gather [hbm4b:s6+s3], $0x80, v4, vm0, $0xb8;
	[tilespmem:$0x10200] =	vst v63  }
0x14f: {  	s21 =	simm.s32 $0x2200  }
0x150: {  	[tilespmem:s21], [sflag:$0x1] =	stream.indirect_vreg.gather [hbm4b:s1+s3], $0x80, v3, vm0, $0xb8;
	[tilespmem:$0x10200] =	vst v63  }
0x151: {  	s21 =	simm.s32 $0x2A00  }
0x152: {  	[tilespmem:s21], [sflag:$0x1] =	stream.indirect_vreg.gather [hbm4b:s4+s3], $0x80, v3, vm0, $0xb8;
	[tilespmem:$0x10200] =	vst v63  }
0x153: {  	s21 =	simm.s32 $0x3200  }
0x154: {  	[tilespmem:s21], [sflag:$0x1] =	stream.indirect_vreg.gather [hbm4b:s5+s3], $0x80, v3, vm0, $0xb8;
	[tilespmem:$0x10200] =	vst v63  }
0x155: {  	s21 =	simm.s32 $0x3A00  }
0x156: {  	[tilespmem:s21], [sflag:$0x1] =	stream.indirect_vreg.gather [hbm4b:s6+s3], $0x80, v3, vm0, $0xb8;
	[tilespmem:$0x10200] =	vst v63  }
0x157: {  	v3 =	vld [tilespmem:$0xD0];
	_ =	sdelay $0x4  }
0x158: {  	v45 =	vshll.u32 v3, $0x3  }
0x159: {  	v3 =	vand.u32 $0x7, v3;
	v4 =	vand.u32 $0xFFFFFFC0, v45  }
0x15a: {  	v3 =	vor.u32 v3, v4  }
0x15b: {  	v4 =	vperm.xlane v3, v0;
	_ =	sdelay $0x1  }
0x15c: {  	v4 =	vadd.s32 v1, v4;
	_ =	sdelay $0x3  }
0x15d: {  	s23 =	simm.s32 $0x4200  }
0x15e: {  	[tilespmem:s23], [sflag:$0x1] =	stream.indirect_vreg.gather [hbm4b:s1+s3], $0x80, v4, vm0, $0xb8;
	[tilespmem:$0x10200] =	vst v63  }
0x15f: {  	s21 =	simm.s32 $0x4A00;
	v3 =	vperm.xlane v3, v2  }
0x160: {  	[tilespmem:s21], [sflag:$0x1] =	stream.indirect_vreg.gather [hbm4b:s4+s3], $0x80, v4, vm0, $0xb8;
	[tilespmem:$0x10200] =	vst v63  }
0x161: {  	s7 =	simm.s32 $0x5200;
	v3 =	vadd.s32 v1, v3  }
0x162: {  	[tilespmem:s7], [sflag:$0x1] =	stream.indirect_vreg.gather [hbm4b:s5+s3], $0x80, v4, vm0, $0xb8;
	[tilespmem:$0x10200] =	vst v63  }
0x163: {  	s8 =	simm.s32 $0x5A00  }
0x164: {  	[tilespmem:s8], [sflag:$0x1] =	stream.indirect_vreg.gather [hbm4b:s6+s3], $0x80, v4, vm0, $0xb8;
	[tilespmem:$0x10200] =	vst v63  }
0x165: {  	s29 =	simm.s32 $0x6200  }
0x166: {  	[tilespmem:s29], [sflag:$0x1] =	stream.indirect_vreg.gather [hbm4b:s1+s3], $0x80, v3, vm0, $0xb8;
	[tilespmem:$0x10200] =	vst v63  }
0x167: {  	s15 =	simm.s32 $0x6A00  }
0x168: {  	[tilespmem:s15], [sflag:$0x1] =	stream.indirect_vreg.gather [hbm4b:s4+s3], $0x80, v3, vm0, $0xb8;
	[tilespmem:$0x10200] =	vst v63  }
0x169: {  	s16 =	simm.s32 $0x7200  }
0x16a: {  	[tilespmem:s16], [sflag:$0x1] =	stream.indirect_vreg.gather [hbm4b:s5+s3], $0x80, v3, vm0, $0xb8;
	[tilespmem:$0x10200] =	vst v63  }
0x16b: {  	s22 =	simm.s32 $0x7A00  }
0x16c: {  	[tilespmem:s22], [sflag:$0x1] =	stream.indirect_vreg.gather [hbm4b:s6+s3], $0x80, v3, vm0, $0xb8;
	[tilespmem:$0x10200] =	vst v63  }
0x16d: {  	_ =	swait.ge [sflag:s19], $0x8000  }
0x16e: {  	[sflag:s19] =	ssyncset.done $0x0  }
0x16f: {  	s21 =	rddreg [dreg:$0xa];
	[sflag:s19] =	ssyncadd.s32 $0xFFFF8000  }
0x170: {  	[hbm4b:s21+s3] =	stream.linear.scatter [tilespmem:s25], [sflag:$0x4], $0x8000, $0x38;
	[tilespmem:$0x10200] =	vst v63  }
0x171: {  	_ =	swait.ge [sflag:s20], $0x8000  }
0x172: {  	[sflag:s20] =	ssyncset.done $0x0  }
0x173: {  	[sflag:s20] =	ssyncadd.s32 $0xFFFF8000  }
0x174: {  	v3 =	vld [tilespmem:$0xE0];
	_ =	sdelay $0x4  }
0x175: {  	v46 =	vshll.u32 v3, $0x3  }
0x176: {  	v3 =	vand.u32 $0x7, v3;
	v4 =	vand.u32 $0xFFFFFFC0, v46  }
0x177: {  	v3 =	vor.u32 v3, v4  }
0x178: {  	v4 =	vperm.xlane v3, v0;
	_ =	sdelay $0x1  }
0x179: {  	v4 =	vadd.s32 v1, v4;
	_ =	sdelay $0x4  }
0x17a: {  	[tilespmem:s25], [sflag:$0x2] =	stream.indirect_vreg.gather [hbm4b:s1+s3], $0x80, v4, vm0, $0xb8;
	[tilespmem:$0x10200] =	vst v63  }
0x17b: {  	s2 =	simm.s32 $0x8A00;
	v3 =	vperm.xlane v3, v2  }
0x17c: {  	[tilespmem:s2], [sflag:$0x2] =	stream.indirect_vreg.gather [hbm4b:s4+s3], $0x80, v4, vm0, $0xb8;
	[tilespmem:$0x10200] =	vst v63  }
0x17d: {  	s0 =	simm.s32 $0x9200;
	v3 =	vadd.s32 v1, v3  }
0x17e: {  	[tilespmem:s0], [sflag:$0x2] =	stream.indirect_vreg.gather [hbm4b:s5+s3], $0x80, v4, vm0, $0xb8;
	[tilespmem:$0x10200] =	vst v63  }
0x17f: {  	s21 =	simm.s32 $0x9A00  }
0x180: {  	[tilespmem:s21], [sflag:$0x2] =	stream.indirect_vreg.gather [hbm4b:s6+s3], $0x80, v4, vm0, $0xb8;
	[tilespmem:$0x10200] =	vst v63  }
0x181: {  	s10 =	simm.s32 $0xA200  }
0x182: {  	[tilespmem:s10], [sflag:$0x2] =	stream.indirect_vreg.gather [hbm4b:s1+s3], $0x80, v3, vm0, $0xb8;
	[tilespmem:$0x10200] =	vst v63  }
0x183: {  	s26 =	simm.s32 $0xAA00  }
0x184: {  	[tilespmem:s26], [sflag:$0x2] =	stream.indirect_vreg.gather [hbm4b:s4+s3], $0x80, v3, vm0, $0xb8;
	[tilespmem:$0x10200] =	vst v63  }
0x185: {  	s28 =	simm.s32 $0xB200  }
0x186: {  	[tilespmem:s28], [sflag:$0x2] =	stream.indirect_vreg.gather [hbm4b:s5+s3], $0x80, v3, vm0, $0xb8;
	[tilespmem:$0x10200] =	vst v63  }
0x187: {  	s21 =	simm.s32 $0xBA00  }
0x188: {  	[tilespmem:s21], [sflag:$0x2] =	stream.indirect_vreg.gather [hbm4b:s6+s3], $0x80, v3, vm0, $0xb8;
	[tilespmem:$0x10200] =	vst v63  }
0x189: {  	v3 =	vld [tilespmem:$0xF0];
	_ =	sdelay $0x4  }
0x18a: {  	v47 =	vshll.u32 v3, $0x3  }
0x18b: {  	v3 =	vand.u32 $0x7, v3;
	v4 =	vand.u32 $0xFFFFFFC0, v47  }
0x18c: {  	v3 =	vor.u32 v3, v4  }
0x18d: {  	v4 =	vperm.xlane v3, v0;
	_ =	sdelay $0x1  }
0x18e: {  	v4 =	vadd.s32 v1, v4;
	_ =	sdelay $0x3  }
0x18f: {  	s21 =	simm.s32 $0xC200  }
0x190: {  	[tilespmem:s21], [sflag:$0x2] =	stream.indirect_vreg.gather [hbm4b:s1+s3], $0x80, v4, vm0, $0xb8;
	[tilespmem:$0x10200] =	vst v63  }
0x191: {  	v3 =	vperm.xlane v3, v2;
	s21 =	simm.s32 $0xCA00  }
0x192: {  	[tilespmem:s21], [sflag:$0x2] =	stream.indirect_vreg.gather [hbm4b:s4+s3], $0x80, v4, vm0, $0xb8;
	[tilespmem:$0x10200] =	vst v63  }
0x193: {  	s12 =	simm.s32 $0xD200;
	v3 =	vadd.s32 v1, v3  }
0x194: {  	[tilespmem:s12], [sflag:$0x2] =	stream.indirect_vreg.gather [hbm4b:s5+s3], $0x80, v4, vm0, $0xb8;
	[tilespmem:$0x10200] =	vst v63  }
0x195: {  	s13 =	simm.s32 $0xDA00  }
0x196: {  	[tilespmem:s13], [sflag:$0x2] =	stream.indirect_vreg.gather [hbm4b:s6+s3], $0x80, v4, vm0, $0xb8;
	[tilespmem:$0x10200] =	vst v63  }
0x197: {  	s14 =	simm.s32 $0xE200  }
0x198: {  	[tilespmem:s14], [sflag:$0x2] =	stream.indirect_vreg.gather [hbm4b:s1+s3], $0x80, v3, vm0, $0xb8;
	[tilespmem:$0x10200] =	vst v63  }
0x199: {  	s30 =	simm.s32 $0xEA00  }
0x19a: {  	[tilespmem:s30], [sflag:$0x2] =	stream.indirect_vreg.gather [hbm4b:s4+s3], $0x80, v3, vm0, $0xb8;
	[tilespmem:$0x10200] =	vst v63  }
0x19b: {  	s31 =	simm.s32 $0xF200  }
0x19c: {  	[tilespmem:s31], [sflag:$0x2] =	stream.indirect_vreg.gather [hbm4b:s5+s3], $0x80, v3, vm0, $0xb8;
	[tilespmem:$0x10200] =	vst v63  }
0x19d: {  	s11 =	simm.s32 $0xFA00  }
0x19e: {  	[tilespmem:s11], [sflag:$0x2] =	stream.indirect_vreg.gather [hbm4b:s6+s3], $0x80, v3, vm0, $0xb8;
	[tilespmem:$0x10200] =	vst v63  }
0x19f: {  	_ =	swait.ge [sflag:s17], $0x8000  }
0x1a0: {  	[sflag:s17] =	ssyncset.done $0x0  }
0x1a1: {  	s21 =	rddreg [dreg:$0xb];
	[sflag:s17] =	ssyncadd.s32 $0xFFFF8000  }
0x1a2: {  	[hbm4b:s21+s3] =	stream.linear.scatter [tilespmem:s9], [sflag:$0x3], $0x8000, $0x38;
	[tilespmem:$0x10200] =	vst v63  }
0x1a3: {  	_ =	swait.ge [sflag:s18], $0x8000  }
0x1a4: {  	[sflag:s18] =	ssyncset.done $0x0  }
0x1a5: {  	[sflag:s18] =	ssyncadd.s32 $0xFFFF8000  }
0x1a6: {  	v3 =	vld [tilespmem:$0x100];
	_ =	sdelay $0x4  }
0x1a7: {  	v48 =	vshll.u32 v3, $0x3  }
0x1a8: {  	v3 =	vand.u32 $0x7, v3;
	v4 =	vand.u32 $0xFFFFFFC0, v48  }
0x1a9: {  	v3 =	vor.u32 v3, v4  }
0x1aa: {  	v4 =	vperm.xlane v3, v0;
	_ =	sdelay $0x1  }
0x1ab: {  	v4 =	vadd.s32 v1, v4;
	_ =	sdelay $0x4  }
0x1ac: {  	[tilespmem:s9], [sflag:$0x1] =	stream.indirect_vreg.gather [hbm4b:s1+s3], $0x80, v4, vm0, $0xb8;
	[tilespmem:$0x10200] =	vst v63  }
0x1ad: {  	s21 =	simm.s32 $0xA00;
	v3 =	vperm.xlane v3, v2  }
0x1ae: {  	[tilespmem:s21], [sflag:$0x1] =	stream.indirect_vreg.gather [hbm4b:s4+s3], $0x80, v4, vm0, $0xb8;
	[tilespmem:$0x10200] =	vst v63  }
0x1af: {  	v3 =	vadd.s32 v1, v3;
	s21 =	simm.s32 $0x1200  }
0x1b0: {  	[tilespmem:s21], [sflag:$0x1] =	stream.indirect_vreg.gather [hbm4b:s5+s3], $0x80, v4, vm0, $0xb8;
	[tilespmem:$0x10200] =	vst v63  }
0x1b1: {  	s21 =	simm.s32 $0x1A00  }
0x1b2: {  	[tilespmem:s21], [sflag:$0x1] =	stream.indirect_vreg.gather [hbm4b:s6+s3], $0x80, v4, vm0, $0xb8;
	[tilespmem:$0x10200] =	vst v63  }
0x1b3: {  	s21 =	simm.s32 $0x2200  }
0x1b4: {  	[tilespmem:s21], [sflag:$0x1] =	stream.indirect_vreg.gather [hbm4b:s1+s3], $0x80, v3, vm0, $0xb8;
	[tilespmem:$0x10200] =	vst v63  }
0x1b5: {  	s21 =	simm.s32 $0x2A00  }
0x1b6: {  	[tilespmem:s21], [sflag:$0x1] =	stream.indirect_vreg.gather [hbm4b:s4+s3], $0x80, v3, vm0, $0xb8;
	[tilespmem:$0x10200] =	vst v63  }
0x1b7: {  	s21 =	simm.s32 $0x3200  }
0x1b8: {  	[tilespmem:s21], [sflag:$0x1] =	stream.indirect_vreg.gather [hbm4b:s5+s3], $0x80, v3, vm0, $0xb8;
	[tilespmem:$0x10200] =	vst v63  }
0x1b9: {  	s21 =	simm.s32 $0x3A00  }
0x1ba: {  	[tilespmem:s21], [sflag:$0x1] =	stream.indirect_vreg.gather [hbm4b:s6+s3], $0x80, v3, vm0, $0xb8;
	[tilespmem:$0x10200] =	vst v63  }
0x1bb: {  	v3 =	vld [tilespmem:$0x110];
	_ =	sdelay $0x4  }
0x1bc: {  	v49 =	vshll.u32 v3, $0x3  }
0x1bd: {  	v3 =	vand.u32 $0x7, v3;
	v4 =	vand.u32 $0xFFFFFFC0, v49  }
0x1be: {  	v3 =	vor.u32 v3, v4  }
0x1bf: {  	v4 =	vperm.xlane v3, v0;
	_ =	sdelay $0x1  }
0x1c0: {  	v4 =	vadd.s32 v1, v4;
	_ =	sdelay $0x3  }
0x1c1: {  	s23 =	simm.s32 $0x4200  }
0x1c2: {  	[tilespmem:s23], [sflag:$0x1] =	stream.indirect_vreg.gather [hbm4b:s1+s3], $0x80, v4, vm0, $0xb8;
	[tilespmem:$0x10200] =	vst v63  }
0x1c3: {  	s21 =	simm.s32 $0x4A00;
	v3 =	vperm.xlane v3, v2  }
0x1c4: {  	[tilespmem:s21], [sflag:$0x1] =	stream.indirect_vreg.gather [hbm4b:s4+s3], $0x80, v4, vm0, $0xb8;
	[tilespmem:$0x10200] =	vst v63  }
0x1c5: {  	s7 =	simm.s32 $0x5200;
	v3 =	vadd.s32 v1, v3  }
0x1c6: {  	[tilespmem:s7], [sflag:$0x1] =	stream.indirect_vreg.gather [hbm4b:s5+s3], $0x80, v4, vm0, $0xb8;
	[tilespmem:$0x10200] =	vst v63  }
0x1c7: {  	s8 =	simm.s32 $0x5A00  }
0x1c8: {  	[tilespmem:s8], [sflag:$0x1] =	stream.indirect_vreg.gather [hbm4b:s6+s3], $0x80, v4, vm0, $0xb8;
	[tilespmem:$0x10200] =	vst v63  }
0x1c9: {  	s29 =	simm.s32 $0x6200  }
0x1ca: {  	[tilespmem:s29], [sflag:$0x1] =	stream.indirect_vreg.gather [hbm4b:s1+s3], $0x80, v3, vm0, $0xb8;
	[tilespmem:$0x10200] =	vst v63  }
0x1cb: {  	s15 =	simm.s32 $0x6A00  }
0x1cc: {  	[tilespmem:s15], [sflag:$0x1] =	stream.indirect_vreg.gather [hbm4b:s4+s3], $0x80, v3, vm0, $0xb8;
	[tilespmem:$0x10200] =	vst v63  }
0x1cd: {  	s16 =	simm.s32 $0x7200  }
0x1ce: {  	[tilespmem:s16], [sflag:$0x1] =	stream.indirect_vreg.gather [hbm4b:s5+s3], $0x80, v3, vm0, $0xb8;
	[tilespmem:$0x10200] =	vst v63  }
0x1cf: {  	s22 =	simm.s32 $0x7A00  }
0x1d0: {  	[tilespmem:s22], [sflag:$0x1] =	stream.indirect_vreg.gather [hbm4b:s6+s3], $0x80, v3, vm0, $0xb8;
	[tilespmem:$0x10200] =	vst v63  }
0x1d1: {  	_ =	swait.ge [sflag:s19], $0x8000  }
0x1d2: {  	[sflag:s19] =	ssyncset.done $0x0  }
0x1d3: {  	s21 =	rddreg [dreg:$0xc];
	[sflag:s19] =	ssyncadd.s32 $0xFFFF8000  }
0x1d4: {  	[hbm4b:s21+s3] =	stream.linear.scatter [tilespmem:s25], [sflag:$0x4], $0x8000, $0x38;
	[tilespmem:$0x10200] =	vst v63  }
0x1d5: {  	_ =	swait.ge [sflag:s20], $0x8000  }
0x1d6: {  	[sflag:s20] =	ssyncset.done $0x0  }
0x1d7: {  	[sflag:s20] =	ssyncadd.s32 $0xFFFF8000  }
0x1d8: {  	v3 =	vld [tilespmem:$0x120];
	_ =	sdelay $0x4  }
0x1d9: {  	v50 =	vshll.u32 v3, $0x3  }
0x1da: {  	v3 =	vand.u32 $0x7, v3;
	v4 =	vand.u32 $0xFFFFFFC0, v50  }
0x1db: {  	v3 =	vor.u32 v3, v4  }
0x1dc: {  	v4 =	vperm.xlane v3, v0;
	_ =	sdelay $0x1  }
0x1dd: {  	v4 =	vadd.s32 v1, v4;
	_ =	sdelay $0x4  }
0x1de: {  	[tilespmem:s25], [sflag:$0x2] =	stream.indirect_vreg.gather [hbm4b:s1+s3], $0x80, v4, vm0, $0xb8;
	[tilespmem:$0x10200] =	vst v63  }
0x1df: {  	s2 =	simm.s32 $0x8A00;
	v3 =	vperm.xlane v3, v2  }
0x1e0: {  	[tilespmem:s2], [sflag:$0x2] =	stream.indirect_vreg.gather [hbm4b:s4+s3], $0x80, v4, vm0, $0xb8;
	[tilespmem:$0x10200] =	vst v63  }
0x1e1: {  	s0 =	simm.s32 $0x9200;
	v3 =	vadd.s32 v1, v3  }
0x1e2: {  	[tilespmem:s0], [sflag:$0x2] =	stream.indirect_vreg.gather [hbm4b:s5+s3], $0x80, v4, vm0, $0xb8;
	[tilespmem:$0x10200] =	vst v63  }
0x1e3: {  	s21 =	simm.s32 $0x9A00  }
0x1e4: {  	[tilespmem:s21], [sflag:$0x2] =	stream.indirect_vreg.gather [hbm4b:s6+s3], $0x80, v4, vm0, $0xb8;
	[tilespmem:$0x10200] =	vst v63  }
0x1e5: {  	s10 =	simm.s32 $0xA200  }
0x1e6: {  	[tilespmem:s10], [sflag:$0x2] =	stream.indirect_vreg.gather [hbm4b:s1+s3], $0x80, v3, vm0, $0xb8;
	[tilespmem:$0x10200] =	vst v63  }
0x1e7: {  	s26 =	simm.s32 $0xAA00  }
0x1e8: {  	[tilespmem:s26], [sflag:$0x2] =	stream.indirect_vreg.gather [hbm4b:s4+s3], $0x80, v3, vm0, $0xb8;
	[tilespmem:$0x10200] =	vst v63  }
0x1e9: {  	s28 =	simm.s32 $0xB200  }
0x1ea: {  	[tilespmem:s28], [sflag:$0x2] =	stream.indirect_vreg.gather [hbm4b:s5+s3], $0x80, v3, vm0, $0xb8;
	[tilespmem:$0x10200] =	vst v63  }
0x1eb: {  	s21 =	simm.s32 $0xBA00  }
0x1ec: {  	[tilespmem:s21], [sflag:$0x2] =	stream.indirect_vreg.gather [hbm4b:s6+s3], $0x80, v3, vm0, $0xb8;
	[tilespmem:$0x10200] =	vst v63  }
0x1ed: {  	v3 =	vld [tilespmem:$0x130];
	_ =	sdelay $0x4  }
0x1ee: {  	v51 =	vshll.u32 v3, $0x3  }
0x1ef: {  	v3 =	vand.u32 $0x7, v3;
	v4 =	vand.u32 $0xFFFFFFC0, v51  }
0x1f0: {  	v3 =	vor.u32 v3, v4  }
0x1f1: {  	v4 =	vperm.xlane v3, v0;
	_ =	sdelay $0x1  }
0x1f2: {  	v4 =	vadd.s32 v1, v4;
	_ =	sdelay $0x3  }
0x1f3: {  	s21 =	simm.s32 $0xC200  }
0x1f4: {  	[tilespmem:s21], [sflag:$0x2] =	stream.indirect_vreg.gather [hbm4b:s1+s3], $0x80, v4, vm0, $0xb8;
	[tilespmem:$0x10200] =	vst v63  }
0x1f5: {  	v3 =	vperm.xlane v3, v2;
	s21 =	simm.s32 $0xCA00  }
0x1f6: {  	[tilespmem:s21], [sflag:$0x2] =	stream.indirect_vreg.gather [hbm4b:s4+s3], $0x80, v4, vm0, $0xb8;
	[tilespmem:$0x10200] =	vst v63  }
0x1f7: {  	s12 =	simm.s32 $0xD200;
	v3 =	vadd.s32 v1, v3  }
0x1f8: {  	[tilespmem:s12], [sflag:$0x2] =	stream.indirect_vreg.gather [hbm4b:s5+s3], $0x80, v4, vm0, $0xb8;
	[tilespmem:$0x10200] =	vst v63  }
0x1f9: {  	s13 =	simm.s32 $0xDA00  }
0x1fa: {  	[tilespmem:s13], [sflag:$0x2] =	stream.indirect_vreg.gather [hbm4b:s6+s3], $0x80, v4, vm0, $0xb8;
	[tilespmem:$0x10200] =	vst v63  }
0x1fb: {  	s14 =	simm.s32 $0xE200  }
0x1fc: {  	[tilespmem:s14], [sflag:$0x2] =	stream.indirect_vreg.gather [hbm4b:s1+s3], $0x80, v3, vm0, $0xb8;
	[tilespmem:$0x10200] =	vst v63  }
0x1fd: {  	s30 =	simm.s32 $0xEA00  }
0x1fe: {  	[tilespmem:s30], [sflag:$0x2] =	stream.indirect_vreg.gather [hbm4b:s4+s3], $0x80, v3, vm0, $0xb8;
	[tilespmem:$0x10200] =	vst v63  }
0x1ff: {  	s31 =	simm.s32 $0xF200  }
0x200: {  	[tilespmem:s31], [sflag:$0x2] =	stream.indirect_vreg.gather [hbm4b:s5+s3], $0x80, v3, vm0, $0xb8;
	[tilespmem:$0x10200] =	vst v63  }
0x201: {  	s11 =	simm.s32 $0xFA00  }
0x202: {  	[tilespmem:s11], [sflag:$0x2] =	stream.indirect_vreg.gather [hbm4b:s6+s3], $0x80, v3, vm0, $0xb8;
	[tilespmem:$0x10200] =	vst v63  }
0x203: {  	_ =	swait.ge [sflag:s17], $0x8000  }
0x204: {  	[sflag:s17] =	ssyncset.done $0x0  }
0x205: {  	s21 =	rddreg [dreg:$0xd];
	[sflag:s17] =	ssyncadd.s32 $0xFFFF8000  }
0x206: {  	[hbm4b:s21+s3] =	stream.linear.scatter [tilespmem:s9], [sflag:$0x3], $0x8000, $0x38;
	[tilespmem:$0x10200] =	vst v63  }
0x207: {  	_ =	swait.ge [sflag:s18], $0x8000  }
0x208: {  	[sflag:s18] =	ssyncset.done $0x0  }
0x209: {  	[sflag:s18] =	ssyncadd.s32 $0xFFFF8000  }
0x20a: {  	v3 =	vld [tilespmem:$0x140];
	_ =	sdelay $0x4  }
0x20b: {  	v52 =	vshll.u32 v3, $0x3  }
0x20c: {  	v3 =	vand.u32 $0x7, v3;
	v4 =	vand.u32 $0xFFFFFFC0, v52  }
0x20d: {  	v3 =	vor.u32 v3, v4  }
0x20e: {  	v4 =	vperm.xlane v3, v0;
	_ =	sdelay $0x1  }
0x20f: {  	v4 =	vadd.s32 v1, v4;
	_ =	sdelay $0x4  }
0x210: {  	[tilespmem:s9], [sflag:$0x1] =	stream.indirect_vreg.gather [hbm4b:s1+s3], $0x80, v4, vm0, $0xb8;
	[tilespmem:$0x10200] =	vst v63  }
0x211: {  	s21 =	simm.s32 $0xA00;
	v3 =	vperm.xlane v3, v2  }
0x212: {  	[tilespmem:s21], [sflag:$0x1] =	stream.indirect_vreg.gather [hbm4b:s4+s3], $0x80, v4, vm0, $0xb8;
	[tilespmem:$0x10200] =	vst v63  }
0x213: {  	v3 =	vadd.s32 v1, v3;
	s21 =	simm.s32 $0x1200  }
0x214: {  	[tilespmem:s21], [sflag:$0x1] =	stream.indirect_vreg.gather [hbm4b:s5+s3], $0x80, v4, vm0, $0xb8;
	[tilespmem:$0x10200] =	vst v63  }
0x215: {  	s21 =	simm.s32 $0x1A00  }
0x216: {  	[tilespmem:s21], [sflag:$0x1] =	stream.indirect_vreg.gather [hbm4b:s6+s3], $0x80, v4, vm0, $0xb8;
	[tilespmem:$0x10200] =	vst v63  }
0x217: {  	s21 =	simm.s32 $0x2200  }
0x218: {  	[tilespmem:s21], [sflag:$0x1] =	stream.indirect_vreg.gather [hbm4b:s1+s3], $0x80, v3, vm0, $0xb8;
	[tilespmem:$0x10200] =	vst v63  }
0x219: {  	s21 =	simm.s32 $0x2A00  }
0x21a: {  	[tilespmem:s21], [sflag:$0x1] =	stream.indirect_vreg.gather [hbm4b:s4+s3], $0x80, v3, vm0, $0xb8;
	[tilespmem:$0x10200] =	vst v63  }
0x21b: {  	s21 =	simm.s32 $0x3200  }
0x21c: {  	[tilespmem:s21], [sflag:$0x1] =	stream.indirect_vreg.gather [hbm4b:s5+s3], $0x80, v3, vm0, $0xb8;
	[tilespmem:$0x10200] =	vst v63  }
0x21d: {  	s21 =	simm.s32 $0x3A00  }
0x21e: {  	[tilespmem:s21], [sflag:$0x1] =	stream.indirect_vreg.gather [hbm4b:s6+s3], $0x80, v3, vm0, $0xb8;
	[tilespmem:$0x10200] =	vst v63  }
0x21f: {  	v3 =	vld [tilespmem:$0x150];
	_ =	sdelay $0x4  }
0x220: {  	v53 =	vshll.u32 v3, $0x3  }
0x221: {  	v3 =	vand.u32 $0x7, v3;
	v4 =	vand.u32 $0xFFFFFFC0, v53  }
0x222: {  	v3 =	vor.u32 v3, v4  }
0x223: {  	v4 =	vperm.xlane v3, v0;
	_ =	sdelay $0x1  }
0x224: {  	v4 =	vadd.s32 v1, v4;
	_ =	sdelay $0x3  }
0x225: {  	s23 =	simm.s32 $0x4200  }
0x226: {  	[tilespmem:s23], [sflag:$0x1] =	stream.indirect_vreg.gather [hbm4b:s1+s3], $0x80, v4, vm0, $0xb8;
	[tilespmem:$0x10200] =	vst v63  }
0x227: {  	s21 =	simm.s32 $0x4A00;
	v3 =	vperm.xlane v3, v2  }
0x228: {  	[tilespmem:s21], [sflag:$0x1] =	stream.indirect_vreg.gather [hbm4b:s4+s3], $0x80, v4, vm0, $0xb8;
	[tilespmem:$0x10200] =	vst v63  }
0x229: {  	s7 =	simm.s32 $0x5200;
	v3 =	vadd.s32 v1, v3  }
0x22a: {  	[tilespmem:s7], [sflag:$0x1] =	stream.indirect_vreg.gather [hbm4b:s5+s3], $0x80, v4, vm0, $0xb8;
	[tilespmem:$0x10200] =	vst v63  }
0x22b: {  	s8 =	simm.s32 $0x5A00  }
0x22c: {  	[tilespmem:s8], [sflag:$0x1] =	stream.indirect_vreg.gather [hbm4b:s6+s3], $0x80, v4, vm0, $0xb8;
	[tilespmem:$0x10200] =	vst v63  }
0x22d: {  	s29 =	simm.s32 $0x6200  }
0x22e: {  	[tilespmem:s29], [sflag:$0x1] =	stream.indirect_vreg.gather [hbm4b:s1+s3], $0x80, v3, vm0, $0xb8;
	[tilespmem:$0x10200] =	vst v63  }
0x22f: {  	s15 =	simm.s32 $0x6A00  }
0x230: {  	[tilespmem:s15], [sflag:$0x1] =	stream.indirect_vreg.gather [hbm4b:s4+s3], $0x80, v3, vm0, $0xb8;
	[tilespmem:$0x10200] =	vst v63  }
0x231: {  	s16 =	simm.s32 $0x7200  }
0x232: {  	[tilespmem:s16], [sflag:$0x1] =	stream.indirect_vreg.gather [hbm4b:s5+s3], $0x80, v3, vm0, $0xb8;
	[tilespmem:$0x10200] =	vst v63  }
0x233: {  	s22 =	simm.s32 $0x7A00  }
0x234: {  	[tilespmem:s22], [sflag:$0x1] =	stream.indirect_vreg.gather [hbm4b:s6+s3], $0x80, v3, vm0, $0xb8;
	[tilespmem:$0x10200] =	vst v63  }
0x235: {  	_ =	swait.ge [sflag:s19], $0x8000  }
0x236: {  	[sflag:s19] =	ssyncset.done $0x0  }
0x237: {  	s7 =	rddreg [dreg:$0xe];
	[sflag:s19] =	ssyncadd.s32 $0xFFFF8000  }
0x238: {  	[hbm4b:s7+s3] =	stream.linear.scatter [tilespmem:s25], [sflag:$0x4], $0x8000, $0x38;
	[tilespmem:$0x10200] =	vst v63  }
0x239: {  	_ =	swait.ge [sflag:s20], $0x8000  }
0x23a: {  	[sflag:s20] =	ssyncset.done $0x0  }
0x23b: {  	[sflag:s20] =	ssyncadd.s32 $0xFFFF8000  }
0x23c: {  	v3 =	vld [tilespmem:$0x160];
	_ =	sdelay $0x4  }
0x23d: {  	v54 =	vshll.u32 v3, $0x3  }
0x23e: {  	v3 =	vand.u32 $0x7, v3;
	v4 =	vand.u32 $0xFFFFFFC0, v54  }
0x23f: {  	v3 =	vor.u32 v3, v4  }
0x240: {  	v4 =	vperm.xlane v3, v0;
	_ =	sdelay $0x1  }
0x241: {  	v4 =	vadd.s32 v1, v4;
	_ =	sdelay $0x4  }
0x242: {  	[tilespmem:s25], [sflag:$0x2] =	stream.indirect_vreg.gather [hbm4b:s1+s3], $0x80, v4, vm0, $0xb8;
	[tilespmem:$0x10200] =	vst v63  }
0x243: {  	s2 =	simm.s32 $0x8A00;
	v3 =	vperm.xlane v3, v2  }
0x244: {  	[tilespmem:s2], [sflag:$0x2] =	stream.indirect_vreg.gather [hbm4b:s4+s3], $0x80, v4, vm0, $0xb8;
	[tilespmem:$0x10200] =	vst v63  }
0x245: {  	s0 =	simm.s32 $0x9200;
	v3 =	vadd.s32 v1, v3  }
0x246: {  	[tilespmem:s0], [sflag:$0x2] =	stream.indirect_vreg.gather [hbm4b:s5+s3], $0x80, v4, vm0, $0xb8;
	[tilespmem:$0x10200] =	vst v63  }
0x247: {  	s21 =	simm.s32 $0x9A00  }
0x248: {  	[tilespmem:s21], [sflag:$0x2] =	stream.indirect_vreg.gather [hbm4b:s6+s3], $0x80, v4, vm0, $0xb8;
	[tilespmem:$0x10200] =	vst v63  }
0x249: {  	s10 =	simm.s32 $0xA200  }
0x24a: {  	[tilespmem:s10], [sflag:$0x2] =	stream.indirect_vreg.gather [hbm4b:s1+s3], $0x80, v3, vm0, $0xb8;
	[tilespmem:$0x10200] =	vst v63  }
0x24b: {  	s26 =	simm.s32 $0xAA00  }
0x24c: {  	[tilespmem:s26], [sflag:$0x2] =	stream.indirect_vreg.gather [hbm4b:s4+s3], $0x80, v3, vm0, $0xb8;
	[tilespmem:$0x10200] =	vst v63  }
0x24d: {  	s28 =	simm.s32 $0xB200  }
0x24e: {  	[tilespmem:s28], [sflag:$0x2] =	stream.indirect_vreg.gather [hbm4b:s5+s3], $0x80, v3, vm0, $0xb8;
	[tilespmem:$0x10200] =	vst v63  }
0x24f: {  	s21 =	simm.s32 $0xBA00  }
0x250: {  	[tilespmem:s21], [sflag:$0x2] =	stream.indirect_vreg.gather [hbm4b:s6+s3], $0x80, v3, vm0, $0xb8;
	[tilespmem:$0x10200] =	vst v63  }
0x251: {  	v3 =	vld [tilespmem:$0x170];
	_ =	sdelay $0x4  }
0x252: {  	v55 =	vshll.u32 v3, $0x3  }
0x253: {  	v3 =	vand.u32 $0x7, v3;
	v4 =	vand.u32 $0xFFFFFFC0, v55  }
0x254: {  	v3 =	vor.u32 v3, v4  }
0x255: {  	v4 =	vperm.xlane v3, v0;
	_ =	sdelay $0x1  }
0x256: {  	v4 =	vadd.s32 v1, v4;
	_ =	sdelay $0x3  }
0x257: {  	s10 =	simm.s32 $0xC200  }
0x258: {  	[tilespmem:s10], [sflag:$0x2] =	stream.indirect_vreg.gather [hbm4b:s1+s3], $0x80, v4, vm0, $0xb8;
	[tilespmem:$0x10200] =	vst v63  }
0x259: {  	s21 =	simm.s32 $0xCA00;
	v3 =	vperm.xlane v3, v2  }
0x25a: {  	[tilespmem:s21], [sflag:$0x2] =	stream.indirect_vreg.gather [hbm4b:s4+s3], $0x80, v4, vm0, $0xb8;
	[tilespmem:$0x10200] =	vst v63  }
0x25b: {  	s12 =	simm.s32 $0xD200;
	v3 =	vadd.s32 v1, v3  }
0x25c: {  	[tilespmem:s12], [sflag:$0x2] =	stream.indirect_vreg.gather [hbm4b:s5+s3], $0x80, v4, vm0, $0xb8;
	[tilespmem:$0x10200] =	vst v63  }
0x25d: {  	s13 =	simm.s32 $0xDA00  }
0x25e: {  	[tilespmem:s13], [sflag:$0x2] =	stream.indirect_vreg.gather [hbm4b:s6+s3], $0x80, v4, vm0, $0xb8;
	[tilespmem:$0x10200] =	vst v63  }
0x25f: {  	s14 =	simm.s32 $0xE200  }
0x260: {  	[tilespmem:s14], [sflag:$0x2] =	stream.indirect_vreg.gather [hbm4b:s1+s3], $0x80, v3, vm0, $0xb8;
	[tilespmem:$0x10200] =	vst v63  }
0x261: {  	s30 =	simm.s32 $0xEA00  }
0x262: {  	[tilespmem:s30], [sflag:$0x2] =	stream.indirect_vreg.gather [hbm4b:s4+s3], $0x80, v3, vm0, $0xb8;
	[tilespmem:$0x10200] =	vst v63  }
0x263: {  	s31 =	simm.s32 $0xF200  }
0x264: {  	[tilespmem:s31], [sflag:$0x2] =	stream.indirect_vreg.gather [hbm4b:s5+s3], $0x80, v3, vm0, $0xb8;
	[tilespmem:$0x10200] =	vst v63  }
0x265: {  	s11 =	simm.s32 $0xFA00  }
0x266: {  	[tilespmem:s11], [sflag:$0x2] =	stream.indirect_vreg.gather [hbm4b:s6+s3], $0x80, v3, vm0, $0xb8;
	[tilespmem:$0x10200] =	vst v63  }
0x267: {  	_ =	swait.ge [sflag:s17], $0x8000  }
0x268: {  	[sflag:s17] =	ssyncset.done $0x0  }
0x269: {  	s7 =	rddreg [dreg:$0xf];
	[sflag:s17] =	ssyncadd.s32 $0xFFFF8000  }
0x26a: {  	[hbm4b:s7+s3] =	stream.linear.scatter [tilespmem:s9], [sflag:$0x3], $0x8000, $0x38;
	[tilespmem:$0x10200] =	vst v63  }
0x26b: {  	_ =	swait.ge [sflag:s18], $0x8000  }
0x26c: {  	[sflag:s18] =	ssyncset.done $0x0  }
0x26d: {  	[sflag:s18] =	ssyncadd.s32 $0xFFFF8000  }
0x26e: {  	v3 =	vld [tilespmem:$0x180];
	_ =	sdelay $0x4  }
0x26f: {  	v56 =	vshll.u32 v3, $0x3  }
0x270: {  	v3 =	vand.u32 $0x7, v3;
	v4 =	vand.u32 $0xFFFFFFC0, v56  }
0x271: {  	v3 =	vor.u32 v3, v4  }
0x272: {  	v4 =	vperm.xlane v3, v0;
	_ =	sdelay $0x1  }
0x273: {  	v4 =	vadd.s32 v1, v4;
	_ =	sdelay $0x4  }
0x274: {  	[tilespmem:s9], [sflag:$0x1] =	stream.indirect_vreg.gather [hbm4b:s1+s3], $0x80, v4, vm0, $0xb8;
	[tilespmem:$0x10200] =	vst v63  }
0x275: {  	s10 =	simm.s32 $0xA00;
	v3 =	vperm.xlane v3, v2  }
0x276: {  	[tilespmem:s10], [sflag:$0x1] =	stream.indirect_vreg.gather [hbm4b:s4+s3], $0x80, v4, vm0, $0xb8;
	[tilespmem:$0x10200] =	vst v63  }
0x277: {  	s11 =	simm.s32 $0x1200;
	v3 =	vadd.s32 v1, v3  }
0x278: {  	[tilespmem:s11], [sflag:$0x1] =	stream.indirect_vreg.gather [hbm4b:s5+s3], $0x80, v4, vm0, $0xb8;
	[tilespmem:$0x10200] =	vst v63  }
0x279: {  	s21 =	simm.s32 $0x1A00  }
0x27a: {  	[tilespmem:s21], [sflag:$0x1] =	stream.indirect_vreg.gather [hbm4b:s6+s3], $0x80, v4, vm0, $0xb8;
	[tilespmem:$0x10200] =	vst v63  }
0x27b: {  	s31 =	simm.s32 $0x2200  }
0x27c: {  	[tilespmem:s31], [sflag:$0x1] =	stream.indirect_vreg.gather [hbm4b:s1+s3], $0x80, v3, vm0, $0xb8;
	[tilespmem:$0x10200] =	vst v63  }
0x27d: {  	s10 =	simm.s32 $0x2A00  }
0x27e: {  	[tilespmem:s10], [sflag:$0x1] =	stream.indirect_vreg.gather [hbm4b:s4+s3], $0x80, v3, vm0, $0xb8;
	[tilespmem:$0x10200] =	vst v63  }
0x27f: {  	s11 =	simm.s32 $0x3200  }
0x280: {  	[tilespmem:s11], [sflag:$0x1] =	stream.indirect_vreg.gather [hbm4b:s5+s3], $0x80, v3, vm0, $0xb8;
	[tilespmem:$0x10200] =	vst v63  }
0x281: {  	s21 =	simm.s32 $0x3A00  }
0x282: {  	[tilespmem:s21], [sflag:$0x1] =	stream.indirect_vreg.gather [hbm4b:s6+s3], $0x80, v3, vm0, $0xb8;
	[tilespmem:$0x10200] =	vst v63  }
0x283: {  	v3 =	vld [tilespmem:$0x190];
	_ =	sdelay $0x4  }
0x284: {  	v57 =	vshll.u32 v3, $0x3  }
0x285: {  	v3 =	vand.u32 $0x7, v3;
	v4 =	vand.u32 $0xFFFFFFC0, v57  }
0x286: {  	v3 =	vor.u32 v3, v4  }
0x287: {  	v4 =	vperm.xlane v3, v0;
	_ =	sdelay $0x1  }
0x288: {  	v4 =	vadd.s32 v1, v4;
	_ =	sdelay $0x3  }
0x289: {  	s23 =	simm.s32 $0x4200  }
0x28a: {  	[tilespmem:s23], [sflag:$0x1] =	stream.indirect_vreg.gather [hbm4b:s1+s3], $0x80, v4, vm0, $0xb8;
	[tilespmem:$0x10200] =	vst v63  }
0x28b: {  	s31 =	simm.s32 $0x4A00;
	v3 =	vperm.xlane v3, v2  }
0x28c: {  	[tilespmem:s31], [sflag:$0x1] =	stream.indirect_vreg.gather [hbm4b:s4+s3], $0x80, v4, vm0, $0xb8;
	[tilespmem:$0x10200] =	vst v63  }
0x28d: {  	s10 =	simm.s32 $0x5200;
	v3 =	vadd.s32 v1, v3  }
0x28e: {  	[tilespmem:s10], [sflag:$0x1] =	stream.indirect_vreg.gather [hbm4b:s5+s3], $0x80, v4, vm0, $0xb8;
	[tilespmem:$0x10200] =	vst v63  }
0x28f: {  	s8 =	simm.s32 $0x5A00  }
0x290: {  	[tilespmem:s8], [sflag:$0x1] =	stream.indirect_vreg.gather [hbm4b:s6+s3], $0x80, v4, vm0, $0xb8;
	[tilespmem:$0x10200] =	vst v63  }
0x291: {  	s29 =	simm.s32 $0x6200  }
0x292: {  	[tilespmem:s29], [sflag:$0x1] =	stream.indirect_vreg.gather [hbm4b:s1+s3], $0x80, v3, vm0, $0xb8;
	[tilespmem:$0x10200] =	vst v63  }
0x293: {  	s15 =	simm.s32 $0x6A00  }
0x294: {  	[tilespmem:s15], [sflag:$0x1] =	stream.indirect_vreg.gather [hbm4b:s4+s3], $0x80, v3, vm0, $0xb8;
	[tilespmem:$0x10200] =	vst v63  }
0x295: {  	s16 =	simm.s32 $0x7200  }
0x296: {  	[tilespmem:s16], [sflag:$0x1] =	stream.indirect_vreg.gather [hbm4b:s5+s3], $0x80, v3, vm0, $0xb8;
	[tilespmem:$0x10200] =	vst v63  }
0x297: {  	s22 =	simm.s32 $0x7A00  }
0x298: {  	[tilespmem:s22], [sflag:$0x1] =	stream.indirect_vreg.gather [hbm4b:s6+s3], $0x80, v3, vm0, $0xb8;
	[tilespmem:$0x10200] =	vst v63  }
0x299: {  	_ =	swait.ge [sflag:s19], $0x8000  }
0x29a: {  	[sflag:s19] =	ssyncset.done $0x0  }
0x29b: {  	s11 =	rddreg [dreg:$0x10];
	[sflag:s19] =	ssyncadd.s32 $0xFFFF8000  }
0x29c: {  	[hbm4b:s11+s3] =	stream.linear.scatter [tilespmem:s25], [sflag:$0x4], $0x8000, $0x38;
	[tilespmem:$0x10200] =	vst v63  }
0x29d: {  	_ =	swait.ge [sflag:s20], $0x8000  }
0x29e: {  	[sflag:s20] =	ssyncset.done $0x0  }
0x29f: {  	[sflag:s20] =	ssyncadd.s32 $0xFFFF8000  }
0x2a0: {  	v3 =	vld [tilespmem:$0x1A0];
	_ =	sdelay $0x4  }
0x2a1: {  	v58 =	vshll.u32 v3, $0x3  }
0x2a2: {  	v3 =	vand.u32 $0x7, v3;
	v4 =	vand.u32 $0xFFFFFFC0, v58  }
0x2a3: {  	v3 =	vor.u32 v3, v4  }
0x2a4: {  	v4 =	vperm.xlane v3, v0;
	_ =	sdelay $0x1  }
0x2a5: {  	v4 =	vadd.s32 v1, v4;
	_ =	sdelay $0x4  }
0x2a6: {  	[tilespmem:s25], [sflag:$0x2] =	stream.indirect_vreg.gather [hbm4b:s1+s3], $0x80, v4, vm0, $0xb8;
	[tilespmem:$0x10200] =	vst v63  }
0x2a7: {  	s2 =	simm.s32 $0x8A00;
	v3 =	vperm.xlane v3, v2  }
0x2a8: {  	[tilespmem:s2], [sflag:$0x2] =	stream.indirect_vreg.gather [hbm4b:s4+s3], $0x80, v4, vm0, $0xb8;
	[tilespmem:$0x10200] =	vst v63  }
0x2a9: {  	s0 =	simm.s32 $0x9200;
	v3 =	vadd.s32 v1, v3  }
0x2aa: {  	[tilespmem:s0], [sflag:$0x2] =	stream.indirect_vreg.gather [hbm4b:s5+s3], $0x80, v4, vm0, $0xb8;
	[tilespmem:$0x10200] =	vst v63  }
0x2ab: {  	s21 =	simm.s32 $0x9A00  }
0x2ac: {  	[tilespmem:s21], [sflag:$0x2] =	stream.indirect_vreg.gather [hbm4b:s6+s3], $0x80, v4, vm0, $0xb8;
	[tilespmem:$0x10200] =	vst v63  }
0x2ad: {  	s22 =	simm.s32 $0xA200  }
0x2ae: {  	[tilespmem:s22], [sflag:$0x2] =	stream.indirect_vreg.gather [hbm4b:s1+s3], $0x80, v3, vm0, $0xb8;
	[tilespmem:$0x10200] =	vst v63  }
0x2af: {  	s26 =	simm.s32 $0xAA00  }
0x2b0: {  	[tilespmem:s26], [sflag:$0x2] =	stream.indirect_vreg.gather [hbm4b:s4+s3], $0x80, v3, vm0, $0xb8;
	[tilespmem:$0x10200] =	vst v63  }
0x2b1: {  	s28 =	simm.s32 $0xB200  }
0x2b2: {  	[tilespmem:s28], [sflag:$0x2] =	stream.indirect_vreg.gather [hbm4b:s5+s3], $0x80, v3, vm0, $0xb8;
	[tilespmem:$0x10200] =	vst v63  }
0x2b3: {  	s26 =	simm.s32 $0xBA00  }
0x2b4: {  	[tilespmem:s26], [sflag:$0x2] =	stream.indirect_vreg.gather [hbm4b:s6+s3], $0x80, v3, vm0, $0xb8;
	[tilespmem:$0x10200] =	vst v63  }
0x2b5: {  	v3 =	vld [tilespmem:$0x1B0];
	_ =	sdelay $0x4  }
0x2b6: {  	v59 =	vshll.u32 v3, $0x3  }
0x2b7: {  	v3 =	vand.u32 $0x7, v3;
	v4 =	vand.u32 $0xFFFFFFC0, v59  }
0x2b8: {  	v3 =	vor.u32 v3, v4  }
0x2b9: {  	v4 =	vperm.xlane v3, v0;
	_ =	sdelay $0x1  }
0x2ba: {  	v4 =	vadd.s32 v1, v4;
	_ =	sdelay $0x3  }
0x2bb: {  	s28 =	simm.s32 $0xC200  }
0x2bc: {  	[tilespmem:s28], [sflag:$0x2] =	stream.indirect_vreg.gather [hbm4b:s1+s3], $0x80, v4, vm0, $0xb8;
	[tilespmem:$0x10200] =	vst v63  }
0x2bd: {  	s26 =	simm.s32 $0xCA00;
	v3 =	vperm.xlane v3, v2  }
0x2be: {  	[tilespmem:s26], [sflag:$0x2] =	stream.indirect_vreg.gather [hbm4b:s4+s3], $0x80, v4, vm0, $0xb8;
	[tilespmem:$0x10200] =	vst v63  }
0x2bf: {  	s12 =	simm.s32 $0xD200;
	v3 =	vadd.s32 v1, v3  }
0x2c0: {  	[tilespmem:s12], [sflag:$0x2] =	stream.indirect_vreg.gather [hbm4b:s5+s3], $0x80, v4, vm0, $0xb8;
	[tilespmem:$0x10200] =	vst v63  }
0x2c1: {  	s13 =	simm.s32 $0xDA00  }
0x2c2: {  	[tilespmem:s13], [sflag:$0x2] =	stream.indirect_vreg.gather [hbm4b:s6+s3], $0x80, v4, vm0, $0xb8;
	[tilespmem:$0x10200] =	vst v63  }
0x2c3: {  	s14 =	simm.s32 $0xE200  }
0x2c4: {  	[tilespmem:s14], [sflag:$0x2] =	stream.indirect_vreg.gather [hbm4b:s1+s3], $0x80, v3, vm0, $0xb8;
	[tilespmem:$0x10200] =	vst v63  }
0x2c5: {  	s30 =	simm.s32 $0xEA00  }
0x2c6: {  	[tilespmem:s30], [sflag:$0x2] =	stream.indirect_vreg.gather [hbm4b:s4+s3], $0x80, v3, vm0, $0xb8;
	[tilespmem:$0x10200] =	vst v63  }
0x2c7: {  	s28 =	simm.s32 $0xF200  }
0x2c8: {  	[tilespmem:s28], [sflag:$0x2] =	stream.indirect_vreg.gather [hbm4b:s5+s3], $0x80, v3, vm0, $0xb8;
	[tilespmem:$0x10200] =	vst v63  }
0x2c9: {  	s30 =	simm.s32 $0xFA00  }
0x2ca: {  	[tilespmem:s30], [sflag:$0x2] =	stream.indirect_vreg.gather [hbm4b:s6+s3], $0x80, v3, vm0, $0xb8;
	[tilespmem:$0x10200] =	vst v63  }
0x2cb: {  	_ =	swait.ge [sflag:s17], $0x8000  }
0x2cc: {  	[sflag:s17] =	ssyncset.done $0x0  }
0x2cd: {  	s21 =	rddreg [dreg:$0x11];
	[sflag:s17] =	ssyncadd.s32 $0xFFFF8000  }
0x2ce: {  	[hbm4b:s21+s3] =	stream.linear.scatter [tilespmem:s9], [sflag:$0x3], $0x8000, $0x38;
	[tilespmem:$0x10200] =	vst v63  }
0x2cf: {  	_ =	swait.ge [sflag:s18], $0x8000  }
0x2d0: {  	[sflag:s18] =	ssyncset.done $0x0  }
0x2d1: {  	[sflag:s18] =	ssyncadd.s32 $0xFFFF8000  }
0x2d2: {  	v3 =	vld [tilespmem:$0x1C0];
	_ =	sdelay $0x4  }
0x2d3: {  	v60 =	vshll.u32 v3, $0x3  }
0x2d4: {  	v3 =	vand.u32 $0x7, v3;
	v4 =	vand.u32 $0xFFFFFFC0, v60  }
0x2d5: {  	v3 =	vor.u32 v3, v4  }
0x2d6: {  	v4 =	vperm.xlane v3, v0;
	_ =	sdelay $0x1  }
0x2d7: {  	v4 =	vadd.s32 v1, v4;
	_ =	sdelay $0x4  }
0x2d8: {  	[tilespmem:s9], [sflag:$0x1] =	stream.indirect_vreg.gather [hbm4b:s1+s3], $0x80, v4, vm0, $0xb8;
	[tilespmem:$0x10200] =	vst v63  }
0x2d9: {  	s21 =	simm.s32 $0xA00;
	v3 =	vperm.xlane v3, v2  }
0x2da: {  	[tilespmem:s21], [sflag:$0x1] =	stream.indirect_vreg.gather [hbm4b:s4+s3], $0x80, v4, vm0, $0xb8;
	[tilespmem:$0x10200] =	vst v63  }
0x2db: {  	v3 =	vadd.s32 v1, v3;
	s21 =	simm.s32 $0x1200  }
0x2dc: {  	[tilespmem:s21], [sflag:$0x1] =	stream.indirect_vreg.gather [hbm4b:s5+s3], $0x80, v4, vm0, $0xb8;
	[tilespmem:$0x10200] =	vst v63  }
0x2dd: {  	s21 =	simm.s32 $0x1A00  }
0x2de: {  	[tilespmem:s21], [sflag:$0x1] =	stream.indirect_vreg.gather [hbm4b:s6+s3], $0x80, v4, vm0, $0xb8;
	[tilespmem:$0x10200] =	vst v63  }
0x2df: {  	s21 =	simm.s32 $0x2200  }
0x2e0: {  	[tilespmem:s21], [sflag:$0x1] =	stream.indirect_vreg.gather [hbm4b:s1+s3], $0x80, v3, vm0, $0xb8;
	[tilespmem:$0x10200] =	vst v63  }
0x2e1: {  	s21 =	simm.s32 $0x2A00  }
0x2e2: {  	[tilespmem:s21], [sflag:$0x1] =	stream.indirect_vreg.gather [hbm4b:s4+s3], $0x80, v3, vm0, $0xb8;
	[tilespmem:$0x10200] =	vst v63  }
0x2e3: {  	s21 =	simm.s32 $0x3200  }
0x2e4: {  	[tilespmem:s21], [sflag:$0x1] =	stream.indirect_vreg.gather [hbm4b:s5+s3], $0x80, v3, vm0, $0xb8;
	[tilespmem:$0x10200] =	vst v63  }
0x2e5: {  	s21 =	simm.s32 $0x3A00  }
0x2e6: {  	[tilespmem:s21], [sflag:$0x1] =	stream.indirect_vreg.gather [hbm4b:s6+s3], $0x80, v3, vm0, $0xb8;
	[tilespmem:$0x10200] =	vst v63  }
0x2e7: {  	v3 =	vld [tilespmem:$0x1D0];
	_ =	sdelay $0x4  }
0x2e8: {  	v61 =	vshll.u32 v3, $0x3  }
0x2e9: {  	v3 =	vand.u32 $0x7, v3;
	v4 =	vand.u32 $0xFFFFFFC0, v61  }
0x2ea: {  	v3 =	vor.u32 v3, v4  }
0x2eb: {  	v4 =	vperm.xlane v3, v0;
	_ =	sdelay $0x1  }
0x2ec: {  	v4 =	vadd.s32 v1, v4;
	_ =	sdelay $0x3  }
0x2ed: {  	s7 =	simm.s32 $0x4200  }
0x2ee: {  	[tilespmem:s7], [sflag:$0x1] =	stream.indirect_vreg.gather [hbm4b:s1+s3], $0x80, v4, vm0, $0xb8;
	[tilespmem:$0x10200] =	vst v63  }
0x2ef: {  	s21 =	simm.s32 $0x4A00;
	v3 =	vperm.xlane v3, v2  }
0x2f0: {  	[tilespmem:s21], [sflag:$0x1] =	stream.indirect_vreg.gather [hbm4b:s4+s3], $0x80, v4, vm0, $0xb8;
	[tilespmem:$0x10200] =	vst v63  }
0x2f1: {  	s23 =	simm.s32 $0x5200;
	v3 =	vadd.s32 v1, v3  }
0x2f2: {  	[tilespmem:s23], [sflag:$0x1] =	stream.indirect_vreg.gather [hbm4b:s5+s3], $0x80, v4, vm0, $0xb8;
	[tilespmem:$0x10200] =	vst v63  }
0x2f3: {  	s8 =	simm.s32 $0x5A00  }
0x2f4: {  	[tilespmem:s8], [sflag:$0x1] =	stream.indirect_vreg.gather [hbm4b:s6+s3], $0x80, v4, vm0, $0xb8;
	[tilespmem:$0x10200] =	vst v63  }
0x2f5: {  	s10 =	simm.s32 $0x6200  }
0x2f6: {  	[tilespmem:s10], [sflag:$0x1] =	stream.indirect_vreg.gather [hbm4b:s1+s3], $0x80, v3, vm0, $0xb8;
	[tilespmem:$0x10200] =	vst v63  }
0x2f7: {  	s29 =	simm.s32 $0x6A00  }
0x2f8: {  	[tilespmem:s29], [sflag:$0x1] =	stream.indirect_vreg.gather [hbm4b:s4+s3], $0x80, v3, vm0, $0xb8;
	[tilespmem:$0x10200] =	vst v63  }
0x2f9: {  	s15 =	simm.s32 $0x7200  }
0x2fa: {  	[tilespmem:s15], [sflag:$0x1] =	stream.indirect_vreg.gather [hbm4b:s5+s3], $0x80, v3, vm0, $0xb8;
	[tilespmem:$0x10200] =	vst v63  }
0x2fb: {  	s16 =	simm.s32 $0x7A00  }
0x2fc: {  	[tilespmem:s16], [sflag:$0x1] =	stream.indirect_vreg.gather [hbm4b:s6+s3], $0x80, v3, vm0, $0xb8;
	[tilespmem:$0x10200] =	vst v63  }
0x2fd: {  	_ =	swait.ge [sflag:s19], $0x8000  }
0x2fe: {  	[sflag:s19] =	ssyncset.done $0x0  }
0x2ff: {  	s16 =	rddreg [dreg:$0x12];
	[sflag:s19] =	ssyncadd.s32 $0xFFFF8000  }
0x300: {  	[hbm4b:s16+s3] =	stream.linear.scatter [tilespmem:s25], [sflag:$0x4], $0x8000, $0x38;
	[tilespmem:$0x10200] =	vst v63  }
0x301: {  	_ =	swait.ge [sflag:s20], $0x8000  }
0x302: {  	[sflag:s20] =	ssyncset.done $0x0  }
0x303: {  	[sflag:s20] =	ssyncadd.s32 $0xFFFF8000  }
0x304: {  	v3 =	vld [tilespmem:$0x1E0];
	_ =	sdelay $0x4  }
0x305: {  	v62 =	vshll.u32 v3, $0x3  }
0x306: {  	v3 =	vand.u32 $0x7, v3;
	v4 =	vand.u32 $0xFFFFFFC0, v62  }
0x307: {  	v3 =	vor.u32 v3, v4  }
0x308: {  	v4 =	vperm.xlane v3, v0;
	_ =	sdelay $0x1  }
0x309: {  	v4 =	vadd.s32 v1, v4;
	_ =	sdelay $0x4  }
0x30a: {  	[tilespmem:s25], [sflag:$0x2] =	stream.indirect_vreg.gather [hbm4b:s1+s3], $0x80, v4, vm0, $0xb8;
	[tilespmem:$0x10200] =	vst v63  }
0x30b: {  	s31 =	simm.s32 $0x8A00;
	v3 =	vperm.xlane v3, v2  }
0x30c: {  	[tilespmem:s31], [sflag:$0x2] =	stream.indirect_vreg.gather [hbm4b:s4+s3], $0x80, v4, vm0, $0xb8;
	[tilespmem:$0x10200] =	vst v63  }
0x30d: {  	s11 =	simm.s32 $0x9200;
	v3 =	vadd.s32 v1, v3  }
0x30e: {  	[tilespmem:s11], [sflag:$0x2] =	stream.indirect_vreg.gather [hbm4b:s5+s3], $0x80, v4, vm0, $0xb8;
	[tilespmem:$0x10200] =	vst v63  }
0x30f: {  	s21 =	simm.s32 $0x9A00  }
0x310: {  	[tilespmem:s21], [sflag:$0x2] =	stream.indirect_vreg.gather [hbm4b:s6+s3], $0x80, v4, vm0, $0xb8;
	[tilespmem:$0x10200] =	vst v63  }
0x311: {  	s0 =	simm.s32 $0xA200  }
0x312: {  	[tilespmem:s0], [sflag:$0x2] =	stream.indirect_vreg.gather [hbm4b:s1+s3], $0x80, v3, vm0, $0xb8;
	[tilespmem:$0x10200] =	vst v63  }
0x313: {  	s2 =	simm.s32 $0xAA00  }
0x314: {  	[tilespmem:s2], [sflag:$0x2] =	stream.indirect_vreg.gather [hbm4b:s4+s3], $0x80, v3, vm0, $0xb8;
	[tilespmem:$0x10200] =	vst v63  }
0x315: {  	s22 =	simm.s32 $0xB200  }
0x316: {  	[tilespmem:s22], [sflag:$0x2] =	stream.indirect_vreg.gather [hbm4b:s5+s3], $0x80, v3, vm0, $0xb8;
	[tilespmem:$0x10200] =	vst v63  }
0x317: {  	s22 =	simm.s32 $0xBA00  }
0x318: {  	[tilespmem:s22], [sflag:$0x2] =	stream.indirect_vreg.gather [hbm4b:s6+s3], $0x80, v3, vm0, $0xb8;
	[tilespmem:$0x10200] =	vst v63  }
0x319: {  	v3 =	vld [tilespmem:$0x1F0];
	_ =	sdelay $0x4  }
0x31a: {  	v63 =	vshll.u32 v3, $0x3  }
0x31b: {  	v3 =	vand.u32 $0x7, v3;
	v4 =	vand.u32 $0xFFFFFFC0, v63  }
0x31c: {  	v3 =	vor.u32 v3, v4  }
0x31d: {  	v4 =	vperm.xlane v3, v0;
	_ =	sdelay $0x1  }
0x31e: {  	v4 =	vadd.s32 v1, v4;
	_ =	sdelay $0x3  }
0x31f: {  	s23 =	simm.s32 $0xC200  }
0x320: {  	[tilespmem:s23], [sflag:$0x2] =	stream.indirect_vreg.gather [hbm4b:s1+s3], $0x80, v4, vm0, $0xb8;
	[tilespmem:$0x10200] =	vst v63  }
0x321: {  	s29 =	simm.s32 $0xCA00;
	v3 =	vperm.xlane v3, v2  }
0x322: {  	[tilespmem:s29], [sflag:$0x2] =	stream.indirect_vreg.gather [hbm4b:s4+s3], $0x80, v4, vm0, $0xb8;
	[tilespmem:$0x10200] =	vst v63  }
0x323: {  	s26 =	simm.s32 $0xD200;
	v3 =	vadd.s32 v1, v3  }
0x324: {  	[tilespmem:s26], [sflag:$0x2] =	stream.indirect_vreg.gather [hbm4b:s5+s3], $0x80, v4, vm0, $0xb8;
	[tilespmem:$0x10200] =	vst v63  }
0x325: {  	s12 =	simm.s32 $0xDA00  }
0x326: {  	[tilespmem:s12], [sflag:$0x2] =	stream.indirect_vreg.gather [hbm4b:s6+s3], $0x80, v4, vm0, $0xb8;
	[tilespmem:$0x10200] =	vst v63  }
0x327: {  	s13 =	simm.s32 $0xE200  }
0x328: {  	[tilespmem:s13], [sflag:$0x2] =	stream.indirect_vreg.gather [hbm4b:s1+s3], $0x80, v3, vm0, $0xb8;
	[tilespmem:$0x10200] =	vst v63  }
0x329: {  	s14 =	simm.s32 $0xEA00  }
0x32a: {  	[tilespmem:s14], [sflag:$0x2] =	stream.indirect_vreg.gather [hbm4b:s4+s3], $0x80, v3, vm0, $0xb8;
	[tilespmem:$0x10200] =	vst v63  }
0x32b: {  	s28 =	simm.s32 $0xF200  }
0x32c: {  	[tilespmem:s28], [sflag:$0x2] =	stream.indirect_vreg.gather [hbm4b:s5+s3], $0x80, v3, vm0, $0xb8;
	[tilespmem:$0x10200] =	vst v63  }
0x32d: {  	s30 =	simm.s32 $0xFA00  }
0x32e: {  	[tilespmem:s30], [sflag:$0x2] =	stream.indirect_vreg.gather [hbm4b:s6+s3], $0x80, v3, vm0, $0xb8;
	[tilespmem:$0x10200] =	vst v63  }
0x32f: {  	_ =	swait.ge [sflag:s17], $0x8000  }
0x330: {  	[sflag:s17] =	ssyncset.done $0x0  }
0x331: {  	s30 =	rddreg [dreg:$0x13];
	[sflag:s17] =	ssyncadd.s32 $0xFFFF8000  }
0x332: {  	[hbm4b:s30+s3] =	stream.linear.scatter [tilespmem:s9], [sflag:$0x3], $0x8000, $0x38;
	[tilespmem:$0x10200] =	vst v63  }
0x333: {  	_ =	swait.ge [sflag:s19], $0x8000  }
0x334: {  	[sflag:s19] =	ssyncset.done $0x0  }
0x335: {  	s31 =	rddreg [dreg:$0x14];
	[sflag:s19] =	ssyncadd.s32 $0xFFFF8000  }
0x336: {  	[hbm4b:s31+s3] =	stream.linear.scatter [tilespmem:s25], [sflag:$0x4], $0x8000, $0x38;
	[tilespmem:$0x10200] =	vst v63  }
0x337: {  	p0 =	sne.s32 s24, $0x1;
	_ =	swait.ge [sflag:s18], $0x8000  }
.Ltmp0:
0x338: {  	[sflag:s18] =	ssyncset.done $0x0;
	(pc) =	sbr.rel @p0 .LBB2_1-.Ltmp0, $4  }
0x339: {  	[sflag:s18] =	ssyncadd.s32 $0xFFFF8000  }
0x33a: {  	_ =	swait.ge [sflag:s20], $0x8000  }
0x33b: {  	[sflag:s20] =	ssyncset.done $0x0  }
0x33c: {  	s24 =	sadd.s32 $0xFFFFFFFF, s24;
	[sflag:s20] =	ssyncadd.s32 $0xFFFF8000  }
0x33d: {  	_ =	sfence.sel $0x180000  }
0x33e: {  	[bflag:$0x0] =	sbarrier.arrive $0xFFFF  }
0x33f: {  	_ =	strace $0x90000047  }
0x340: {  	s0 =	stileid.u32;
	[bflag:$0x2] =	sbarrier.arrive $0xFFFF  }
0x341: {  	p0 =	sne.s32 s0, $0x0;
	s0 =	rddreg [dreg:$0x3]  }
0x342: {  	s0 =	sadd.s32 @!p0 $0x100000, s0  }
0x343: {  	[sflag:s0] =	ssyncadd.tile.s32 @!p0 $0x1;
	_ =	shalt  }
.Lfunc_end2:
_tile_overlayer_lowered:
.L_overlay_start_2:
0x344: {  	(tag) =	ssettag $0x2  }
0x345: {  	s0 =	rddreg [dreg:$0x0];
	s2 =	stileid.u32  }
0x346: {  	s1 =	rddreg [dreg:$0x1];
	p0 =	sne.s32 s2, $0x0  }
0x347: {  	s3 =	rddreg [dreg:$0x2];
	[bflag:$0x3] =	sbarrier.arrive $0xFFFF;
	s2 =	simm.s32 @!p0 $0x1C05  }
0x348: {  	[timem:s3], [sflag:s2] =	dma.local @!p0 [hbm:s0], s1  }
0x349: {  	s0 =	simm.s32 @!p0 $0x5  }
0x34a: {  	_ =	swait.ge @!p0 [sflag:s0], s1  }
0x34b: {  	s1 =	ssub.s32 @!p0 $0x0, s1;
	[sflag:s0] =	ssyncset.done @!p0 $0x0  }
0x34c: {  	[sflag:s0] =	ssyncadd.s32 @!p0 s1  }
0x34d: {  	[bflag:$0x3] =	sbarrier.arrive $0xFFFF  }
0x34e: {  	_ =	shalt  }

</sc_bundles>
